<compile_context>
chip_gen: v7x
topology: tpu7x:2x2x1
jax: 0.10.2.dev20260603
libtpu: 0.0.44.dev20260713+nightly
codegen_flags: <defaults>
</compile_context>

<pallas_src>
import functools

import jax
import jax.numpy as jnp
from jax import lax
from jax.experimental import pallas as pl
from jax.experimental.pallas import tpu as pltpu
from jax.experimental.pallas import tpu_sc as plsc

N = 10000
E = 320000
F_IN = 128
H = 32
HC = 2 * H

NC = 2
NS = 16
NW = NC * NS

EPT = E // NW
CH = 80
NITER = EPT // CH
RPT = 624
RTAIL = N - NS * RPT


def _mm_body(x_ref, w_ref, o_ref):
    o_ref[...] = jnp.dot(x_ref[...], w_ref[...],
                         preferred_element_type=jnp.float32)


def _support_matmul(x, w_cat):
    bm = 400
    return pl.pallas_call(
        _mm_body,
        grid=(N // bm,),
        in_specs=[
            pl.BlockSpec((bm, F_IN), lambda i: (i, 0)),
            pl.BlockSpec((F_IN, HC), lambda i: (0, 0)),
        ],
        out_specs=pl.BlockSpec((bm, HC), lambda i: (i, 0)),
        out_shape=jax.ShapeDtypeStruct((N, HC), jnp.float32),
    )(x, w_cat)


def _sc_body(support_hbm, src_hbm, dst_hbm, w_hbm, out_hbm,
             acc_sh, src_v, dst_v, w_v, rows_v, sem):
    cid = lax.axis_index("c")
    sid = lax.axis_index("s")

    def _zero_body(i, _):
        for j in range(HC // 16):
            rows_v[i, pl.ds(j * 16, 16)] = jnp.zeros((16,), jnp.float32)
        return 0
    lax.fori_loop(0, CH, _zero_body, 0)
    rbase = pl.multiple_of(sid * RPT, 8)
    for k in range(RPT // CH):
        pltpu.sync_copy(rows_v, acc_sh.at[pl.ds(rbase + k * CH, CH)])
    rem = RPT % CH
    if rem:
        pltpu.sync_copy(rows_v.at[pl.ds(0, rem)],
                        acc_sh.at[pl.ds(rbase + (RPT // CH) * CH, rem)])

    @pl.when(sid == 0)
    def _zero_tail():
        pltpu.sync_copy(rows_v.at[pl.ds(0, RTAIL)],
                        acc_sh.at[pl.ds(NS * RPT, RTAIL)])

    plsc.subcore_barrier()

    ebase = (cid * NS + sid) * EPT

    def _edge_body(it, _):
        off = ebase + it * CH
        pltpu.sync_copy(src_hbm.at[pl.ds(off, CH)], src_v)
        pltpu.sync_copy(dst_hbm.at[pl.ds(off, CH)], dst_v)
        pltpu.sync_copy(w_hbm.at[pl.ds(off, CH)], w_v)
        pltpu.async_copy(support_hbm.at[src_v], rows_v, sem).wait()

        def _scale_body(c, _):
            w16 = w_v[pl.ds(c * 16, 16)]
            for i in range(16):
                r = c * 16 + i
                s = jnp.full((16,), w16[i], jnp.float32)
                for j in range(HC // 16):
                    rows_v[r, pl.ds(j * 16, 16)] = (
                        rows_v[r, pl.ds(j * 16, 16)] * s)
            return 0
        lax.fori_loop(0, CH // 16, _scale_body, 0)

        pltpu.sync_copy(rows_v, acc_sh.at[dst_v], add=True)
        return 0

    lax.fori_loop(0, NITER, _edge_body, 0)
    plsc.subcore_barrier()

    pltpu.sync_copy(acc_sh.at[pl.ds(rbase, RPT)],
                    out_hbm.at[cid, pl.ds(rbase, RPT)])

    @pl.when(sid == 0)
    def _out_tail():
        pltpu.sync_copy(acc_sh.at[pl.ds(NS * RPT, RTAIL)],
                        out_hbm.at[cid, pl.ds(NS * RPT, RTAIL)])


def _sc_spmm(support, src, dst, w):
    mesh = plsc.VectorSubcoreMesh(core_axis_name="c", subcore_axis_name="s",
                                  num_cores=NC, num_subcores=NS)
    f = functools.partial(
        pl.kernel,
        out_type=jax.ShapeDtypeStruct((NC, N, HC), jnp.float32),
        mesh=mesh,
        scratch_types=[
            pltpu.VMEM_SHARED((N, HC), jnp.float32),
            pltpu.VMEM((CH,), jnp.int32),
            pltpu.VMEM((CH,), jnp.int32),
            pltpu.VMEM((CH,), jnp.float32),
            pltpu.VMEM((CH, HC), jnp.float32),
            pltpu.SemaphoreType.DMA,
        ],
        compiler_params=pltpu.CompilerParams(use_tc_tiling_on_sc=False),
    )(_sc_body)
    return f(support, src, dst, w)


def _fin_body(p0m_ref, p0l_ref, p1m_ref, p1l_ref, nz_ref, bm_ref, bl_ref,
              o_ref):
    mean = p0m_ref[...] + p1m_ref[...] + bm_ref[...]
    logstd = p0l_ref[...] + p1l_ref[...] + bl_ref[...]
    o_ref[...] = nz_ref[...] * jnp.exp(logstd) + mean


def _finalize(p0m, p0l, p1m, p1l, noise, b_mean, b_logstd):
    bm = 400
    bspec = pl.BlockSpec((bm, H), lambda i: (i, 0))
    cspec = pl.BlockSpec((1, H), lambda i: (0, 0))
    return pl.pallas_call(
        _fin_body,
        grid=(N // bm,),
        in_specs=[bspec, bspec, bspec, bspec, bspec, cspec, cspec],
        out_specs=bspec,
        out_shape=jax.ShapeDtypeStruct((N, H), jnp.float32),
    )(p0m, p0l, p1m, p1l, noise, b_mean.reshape(1, H),
      b_logstd.reshape(1, H))


def kernel(x, edge_index, edge_weight, W_mean, b_mean, W_logstd, b_logstd,
           noise):
    w_cat = jnp.concatenate([W_mean, W_logstd], axis=1)
    support = _support_matmul(x, w_cat)
    src = edge_index[0].astype(jnp.int32)
    dst = edge_index[1].astype(jnp.int32)
    partials = _sc_spmm(support, src, dst, edge_weight)
    return _finalize(partials[0, :, :H], partials[0, :, H:],
                     partials[1, :, :H], partials[1, :, H:],
                     noise, b_mean, b_logstd)

# --- scband reference (transcript-rebuilt; emitter-appended) ---
"""Pipeline reference for scband-vgae-8323646620419 (READ-ONLY COPY).

The authoritative reference and input builder live on the scoring server;
editing this copy changes nothing except your own understanding.
"""

import jax, jax.numpy as jnp
import numpy as np

N = 10000
E = 320000
F_IN = 128
H = 32


def setup_inputs(seed: int = 0) -> dict:
    key = jax.random.key(seed)
    ks = jax.random.split(key, 8)
    x = jax.random.normal(ks[0], (N, F_IN), dtype=jnp.float32)
    edge_index = jax.random.randint(ks[1], (2, E), 0, N)
    edge_weight = jax.random.uniform(ks[2], (E,), dtype=jnp.float32)
    stdv = 1.0 / np.sqrt(H)
    W_mean = jax.random.uniform(ks[3], (F_IN, H), minval=-stdv, maxval=stdv, dtype=jnp.float32)
    b_mean = jax.random.uniform(ks[4], (H,), minval=-stdv, maxval=stdv, dtype=jnp.float32)
    W_logstd = jax.random.uniform(ks[5], (F_IN, H), minval=-stdv, maxval=stdv, dtype=jnp.float32)
    b_logstd = jax.random.uniform(ks[6], (H,), minval=-stdv, maxval=stdv, dtype=jnp.float32)
    noise = jax.random.normal(ks[7], (N, H), dtype=jnp.float32)
    return {
        'x': x,
        'edge_index': edge_index,
        'edge_weight': edge_weight,
        'W_mean': W_mean,
        'b_mean': b_mean,
        'W_logstd': W_logstd,
        'b_logstd': b_logstd,
        'noise': noise,
    }


def reference(x, edge_index, edge_weight, W_mean, b_mean, W_logstd, b_logstd, noise):
    # VGAE.forward -> encode(x, adj) in training mode:
    #   mean   = spmm(adj, x @ W_mean)   + b_mean
    #   logstd = spmm(adj, x @ W_logstd) + b_logstd
    #   z = noise * exp(logstd) + mean
    # adj is the sparse [N, N] matrix given by (edge_index, edge_weight):
    # spmm(adj, S)[dst] = sum_{edges e with dst(e)=dst} edge_weight[e] * S[src(e)]
    src = edge_index[0]
    dst = edge_index[1]

    def graph_conv(W, b):
        support = x @ W                                  # [N, H] dense matmul
        msg = edge_weight[:, None] * jnp.take(support, src, axis=0)  # gather [E, H]
        out = jax.ops.segment_sum(msg, dst, num_segments=N)          # scatter-add [N, H]
        return out + b

    mean = graph_conv(W_mean, b_mean)
    logstd = graph_conv(W_logstd, b_logstd)
    sampled_z = noise * jnp.exp(logstd) + mean
    return sampled_z

if __name__ == "__main__":
    import jax
    _d = setup_inputs()
    print(jax.jit(kernel)(*tuple(_d.values())))

</pallas_src>

<mosaic_0001>
#map = affine_map<(d0, d1) -> (0, 0)>
#map1 = affine_map<(d0, d1) -> (0)>
#map2 = affine_map<(d0, d1) -> (0, 0, 0)>
module attributes {stable_mosaic.version = 14 : i64} {
  func.func @_sc_body(%arg0: i32, %arg1: i32, %arg2: memref<10000x64xf32, #tpu.memory_space<hbm>>, %arg3: memref<320000xi32, #tpu.memory_space<hbm>>, %arg4: memref<320000xi32, #tpu.memory_space<hbm>>, %arg5: memref<320000xf32, #tpu.memory_space<hbm>>, %arg6: memref<2x10000x64xf32, #tpu.memory_space<hbm>>, %arg7: memref<10000x64xf32, #tpu.memory_space<vmem_shared>>, %arg8: memref<80xi32, #tpu.memory_space<vmem>>, %arg9: memref<80xi32, #tpu.memory_space<vmem>>, %arg10: memref<80xf32, #tpu.memory_space<vmem>>, %arg11: memref<80x64xf32, #tpu.memory_space<vmem>>, %arg12: memref<!tpu.dma_semaphore, #tpu.memory_space<semaphore_mem>>) attributes {dimension_semantics = [#tpu.dimension_semantics<core_parallel>, #tpu.dimension_semantics<subcore_parallel>], iteration_bounds = array<i64: 2, 16>, scalar_prefetch = 0 : i64, scratch_operands = 6 : i64, tpu.core_type = #tpu.core_type<sc_vector_subcore>, window_params = [{transform_indices = #map}, {transform_indices = #map1}, {transform_indices = #map1}, {transform_indices = #map1}, {transform_indices = #map2}]} {
    %scan3A = arith.constant 0 : i32
    %scan3A_0 = arith.constant 0 : i32
    %scan3A_1 = arith.constant 80 : i32
    %scan3A_2 = arith.addi %scan3A_0, %scan3A_1 : i32
    %scan3A_3 = arith.constant 1 : i32
    %scan3A_4 = scf.for %scan3A_42 = %scan3A_0 to %scan3A_2 step %scan3A_3 iter_args(%scan3A_43 = %scan3A) -> (i32)  : i32 {
      %broadcast_in_dim3A = arith.constant 0.000000e+00 : f32
      %broadcast_in_dim3A_44 = vector.broadcast %broadcast_in_dim3A : f32 to vector<16xf32>
      %swap3A = arith.index_cast %scan3A_42 : i32 to index
      %swap3A_45 = arith.constant 0 : index
      %swap3A_46 = tpu.vector_load %arg11[%swap3A, %swap3A_45] {strides = array<i32>} : memref<80x64xf32, #tpu.memory_space<vmem>>, vector<1x16xf32>,
      %swap3A_47 = vector.shape_cast %swap3A_46 : vector<1x16xf32> to vector<16xf32>
      %swap3A_48 = vector.shape_cast %broadcast_in_dim3A_44 : vector<16xf32> to vector<1x16xf32>
      tpu.vector_store %arg11[%swap3A, %swap3A_45], %swap3A_48 {strides = array<i32>} : memref<80x64xf32, #tpu.memory_space<vmem>>, vector<1x16xf32>,
      %broadcast_in_dim3A_49 = arith.constant 0.000000e+00 : f32
      %broadcast_in_dim3A_50 = vector.broadcast %broadcast_in_dim3A_49 : f32 to vector<16xf32>
      %swap3A_51 = arith.index_cast %scan3A_42 : i32 to index
      %swap3A_52 = arith.constant 16 : index
      %swap3A_53 = tpu.vector_load %arg11[%swap3A_51, %swap3A_52] {strides = array<i32>} : memref<80x64xf32, #tpu.memory_space<vmem>>, vector<1x16xf32>,
      %swap3A_54 = vector.shape_cast %swap3A_53 : vector<1x16xf32> to vector<16xf32>
      %swap3A_55 = vector.shape_cast %broadcast_in_dim3A_50 : vector<16xf32> to vector<1x16xf32>
      tpu.vector_store %arg11[%swap3A_51, %swap3A_52], %swap3A_55 {strides = array<i32>} : memref<80x64xf32, #tpu.memory_space<vmem>>, vector<1x16xf32>,
      %broadcast_in_dim3A_56 = arith.constant 0.000000e+00 : f32
      %broadcast_in_dim3A_57 = vector.broadcast %broadcast_in_dim3A_56 : f32 to vector<16xf32>
      %swap3A_58 = arith.index_cast %scan3A_42 : i32 to index
      %swap3A_59 = arith.constant 32 : index
      %swap3A_60 = tpu.vector_load %arg11[%swap3A_58, %swap3A_59] {strides = array<i32>} : memref<80x64xf32, #tpu.memory_space<vmem>>, vector<1x16xf32>,
      %swap3A_61 = vector.shape_cast %swap3A_60 : vector<1x16xf32> to vector<16xf32>
      %swap3A_62 = vector.shape_cast %broadcast_in_dim3A_57 : vector<16xf32> to vector<1x16xf32>
      tpu.vector_store %arg11[%swap3A_58, %swap3A_59], %swap3A_62 {strides = array<i32>} : memref<80x64xf32, #tpu.memory_space<vmem>>, vector<1x16xf32>,
      %broadcast_in_dim3A_63 = arith.constant 0.000000e+00 : f32
      %broadcast_in_dim3A_64 = vector.broadcast %broadcast_in_dim3A_63 : f32 to vector<16xf32>
      %swap3A_65 = arith.index_cast %scan3A_42 : i32 to index
      %swap3A_66 = arith.constant 48 : index
      %swap3A_67 = tpu.vector_load %arg11[%swap3A_65, %swap3A_66] {strides = array<i32>} : memref<80x64xf32, #tpu.memory_space<vmem>>, vector<1x16xf32>,
      %swap3A_68 = vector.shape_cast %swap3A_67 : vector<1x16xf32> to vector<16xf32>
      %swap3A_69 = vector.shape_cast %broadcast_in_dim3A_64 : vector<16xf32> to vector<1x16xf32>
      tpu.vector_store %arg11[%swap3A_65, %swap3A_66], %swap3A_69 {strides = array<i32>} : memref<80x64xf32, #tpu.memory_space<vmem>>, vector<1x16xf32>,
      %scan3A_70 = arith.constant 0 : i32
      scf.yield %scan3A_70 : i32
    }
    %scan3A_5 = arith.constant 80 : i32
    %mul3A = arith.constant 624 : i32
    %mul3A_6 = arith.muli %arg1, %mul3A : i32
    %multiple_of3A = tpu.assume_multiple %mul3A_6, 8 : i32
    %add3A = arith.constant 0 : i32
    %add3A_7 = arith.addi %multiple_of3A, %add3A : i32
    "tpu.region"() ({
      %run_scoped3A = tpu.sem_alloc : memref<!tpu.dma_semaphore, #tpu.memory_space<semaphore_mem>>
      %dma_start3A = arith.constant 0 : i32
      %dma_start3A_42 = tpu.memref_slice %arg7[%add3A_7, %dma_start3A] : memref<10000x64xf32, #tpu.memory_space<vmem_shared>> -> memref<80x64xf32, #tpu.memory_space<vmem_shared>>
      %dma_start3A_43 = arith.constant 0 : i32
      %dma_start3A_44 = tpu.memref_slice %arg7[%add3A_7, %dma_start3A_43] : memref<10000x64xf32, #tpu.memory_space<vmem_shared>> -> memref<80x64xf32, #tpu.memory_space<vmem_shared>>
      tpu.enqueue_dma source(%arg11 : memref<80x64xf32, #tpu.memory_space<vmem>>) target(%dma_start3A_44 : memref<80x64xf32, #tpu.memory_space<vmem_shared>>) target_semaphore(%run_scoped3A : memref<!tpu.dma_semaphore, #tpu.memory_space<semaphore_mem>>)
      %dma_wait3A = arith.constant 0 : i32
      %dma_wait3A_45 = tpu.memref_slice %arg7[%add3A_7, %dma_wait3A] : memref<10000x64xf32, #tpu.memory_space<vmem_shared>> -> memref<80x64xf32, #tpu.memory_space<vmem_shared>>
      %dma_wait3A_46 = arith.constant 0 : i32
      %dma_wait3A_47 = tpu.memref_slice %arg7[%add3A_7, %dma_wait3A_46] : memref<10000x64xf32, #tpu.memory_space<vmem_shared>> -> memref<80x64xf32, #tpu.memory_space<vmem_shared>>
      tpu.wait_dma2 semaphore(%run_scoped3A : memref<!tpu.dma_semaphore, #tpu.memory_space<semaphore_mem>>) src(%arg11 : memref<80x64xf32, #tpu.memory_space<vmem>>) dst(%dma_wait3A_47 : memref<80x64xf32, #tpu.memory_space<vmem_shared>>)
      tpu.yield
    }) : () -> ()
    %add3A_8 = arith.constant 80 : i32
    %add3A_9 = arith.addi %multiple_of3A, %add3A_8 : i32
    "tpu.region"() ({
      %run_scoped3A = tpu.sem_alloc : memref<!tpu.dma_semaphore, #tpu.memory_space<semaphore_mem>>
      %dma_start3A = arith.constant 0 : i32
      %dma_start3A_42 = tpu.memref_slice %arg7[%add3A_9, %dma_start3A] : memref<10000x64xf32, #tpu.memory_space<vmem_shared>> -> memref<80x64xf32, #tpu.memory_space<vmem_shared>>
      %dma_start3A_43 = arith.constant 0 : i32
      %dma_start3A_44 = tpu.memref_slice %arg7[%add3A_9, %dma_start3A_43] : memref<10000x64xf32, #tpu.memory_space<vmem_shared>> -> memref<80x64xf32, #tpu.memory_space<vmem_shared>>
      tpu.enqueue_dma source(%arg11 : memref<80x64xf32, #tpu.memory_space<vmem>>) target(%dma_start3A_44 : memref<80x64xf32, #tpu.memory_space<vmem_shared>>) target_semaphore(%run_scoped3A : memref<!tpu.dma_semaphore, #tpu.memory_space<semaphore_mem>>)
      %dma_wait3A = arith.constant 0 : i32
      %dma_wait3A_45 = tpu.memref_slice %arg7[%add3A_9, %dma_wait3A] : memref<10000x64xf32, #tpu.memory_space<vmem_shared>> -> memref<80x64xf32, #tpu.memory_space<vmem_shared>>
      %dma_wait3A_46 = arith.constant 0 : i32
      %dma_wait3A_47 = tpu.memref_slice %arg7[%add3A_9, %dma_wait3A_46] : memref<10000x64xf32, #tpu.memory_space<vmem_shared>> -> memref<80x64xf32, #tpu.memory_space<vmem_shared>>
      tpu.wait_dma2 semaphore(%run_scoped3A : memref<!tpu.dma_semaphore, #tpu.memory_space<semaphore_mem>>) src(%arg11 : memref<80x64xf32, #tpu.memory_space<vmem>>) dst(%dma_wait3A_47 : memref<80x64xf32, #tpu.memory_space<vmem_shared>>)
      tpu.yield
    }) : () -> ()
    %add3A_10 = arith.constant 160 : i32
    %add3A_11 = arith.addi %multiple_of3A, %add3A_10 : i32
    "tpu.region"() ({
      %run_scoped3A = tpu.sem_alloc : memref<!tpu.dma_semaphore, #tpu.memory_space<semaphore_mem>>
      %dma_start3A = arith.constant 0 : i32
      %dma_start3A_42 = tpu.memref_slice %arg7[%add3A_11, %dma_start3A] : memref<10000x64xf32, #tpu.memory_space<vmem_shared>> -> memref<80x64xf32, #tpu.memory_space<vmem_shared>>
      %dma_start3A_43 = arith.constant 0 : i32
      %dma_start3A_44 = tpu.memref_slice %arg7[%add3A_11, %dma_start3A_43] : memref<10000x64xf32, #tpu.memory_space<vmem_shared>> -> memref<80x64xf32, #tpu.memory_space<vmem_shared>>
      tpu.enqueue_dma source(%arg11 : memref<80x64xf32, #tpu.memory_space<vmem>>) target(%dma_start3A_44 : memref<80x64xf32, #tpu.memory_space<vmem_shared>>) target_semaphore(%run_scoped3A : memref<!tpu.dma_semaphore, #tpu.memory_space<semaphore_mem>>)
      %dma_wait3A = arith.constant 0 : i32
      %dma_wait3A_45 = tpu.memref_slice %arg7[%add3A_11, %dma_wait3A] : memref<10000x64xf32, #tpu.memory_space<vmem_shared>> -> memref<80x64xf32, #tpu.memory_space<vmem_shared>>
      %dma_wait3A_46 = arith.constant 0 : i32
      %dma_wait3A_47 = tpu.memref_slice %arg7[%add3A_11, %dma_wait3A_46] : memref<10000x64xf32, #tpu.memory_space<vmem_shared>> -> memref<80x64xf32, #tpu.memory_space<vmem_shared>>
      tpu.wait_dma2 semaphore(%run_scoped3A : memref<!tpu.dma_semaphore, #tpu.memory_space<semaphore_mem>>) src(%arg11 : memref<80x64xf32, #tpu.memory_space<vmem>>) dst(%dma_wait3A_47 : memref<80x64xf32, #tpu.memory_space<vmem_shared>>)
      tpu.yield
    }) : () -> ()
    %add3A_12 = arith.constant 240 : i32
    %add3A_13 = arith.addi %multiple_of3A, %add3A_12 : i32
    "tpu.region"() ({
      %run_scoped3A = tpu.sem_alloc : memref<!tpu.dma_semaphore, #tpu.memory_space<semaphore_mem>>
      %dma_start3A = arith.constant 0 : i32
      %dma_start3A_42 = tpu.memref_slice %arg7[%add3A_13, %dma_start3A] : memref<10000x64xf32, #tpu.memory_space<vmem_shared>> -> memref<80x64xf32, #tpu.memory_space<vmem_shared>>
      %dma_start3A_43 = arith.constant 0 : i32
      %dma_start3A_44 = tpu.memref_slice %arg7[%add3A_13, %dma_start3A_43] : memref<10000x64xf32, #tpu.memory_space<vmem_shared>> -> memref<80x64xf32, #tpu.memory_space<vmem_shared>>
      tpu.enqueue_dma source(%arg11 : memref<80x64xf32, #tpu.memory_space<vmem>>) target(%dma_start3A_44 : memref<80x64xf32, #tpu.memory_space<vmem_shared>>) target_semaphore(%run_scoped3A : memref<!tpu.dma_semaphore, #tpu.memory_space<semaphore_mem>>)
      %dma_wait3A = arith.constant 0 : i32
      %dma_wait3A_45 = tpu.memref_slice %arg7[%add3A_13, %dma_wait3A] : memref<10000x64xf32, #tpu.memory_space<vmem_shared>> -> memref<80x64xf32, #tpu.memory_space<vmem_shared>>
      %dma_wait3A_46 = arith.constant 0 : i32
      %dma_wait3A_47 = tpu.memref_slice %arg7[%add3A_13, %dma_wait3A_46] : memref<10000x64xf32, #tpu.memory_space<vmem_shared>> -> memref<80x64xf32, #tpu.memory_space<vmem_shared>>
      tpu.wait_dma2 semaphore(%run_scoped3A : memref<!tpu.dma_semaphore, #tpu.memory_space<semaphore_mem>>) src(%arg11 : memref<80x64xf32, #tpu.memory_space<vmem>>) dst(%dma_wait3A_47 : memref<80x64xf32, #tpu.memory_space<vmem_shared>>)
      tpu.yield
    }) : () -> ()
    %add3A_14 = arith.constant 320 : i32
    %add3A_15 = arith.addi %multiple_of3A, %add3A_14 : i32
    "tpu.region"() ({
      %run_scoped3A = tpu.sem_alloc : memref<!tpu.dma_semaphore, #tpu.memory_space<semaphore_mem>>
      %dma_start3A = arith.constant 0 : i32
      %dma_start3A_42 = tpu.memref_slice %arg7[%add3A_15, %dma_start3A] : memref<10000x64xf32, #tpu.memory_space<vmem_shared>> -> memref<80x64xf32, #tpu.memory_space<vmem_shared>>
      %dma_start3A_43 = arith.constant 0 : i32
      %dma_start3A_44 = tpu.memref_slice %arg7[%add3A_15, %dma_start3A_43] : memref<10000x64xf32, #tpu.memory_space<vmem_shared>> -> memref<80x64xf32, #tpu.memory_space<vmem_shared>>
      tpu.enqueue_dma source(%arg11 : memref<80x64xf32, #tpu.memory_space<vmem>>) target(%dma_start3A_44 : memref<80x64xf32, #tpu.memory_space<vmem_shared>>) target_semaphore(%run_scoped3A : memref<!tpu.dma_semaphore, #tpu.memory_space<semaphore_mem>>)
      %dma_wait3A = arith.constant 0 : i32
      %dma_wait3A_45 = tpu.memref_slice %arg7[%add3A_15, %dma_wait3A] : memref<10000x64xf32, #tpu.memory_space<vmem_shared>> -> memref<80x64xf32, #tpu.memory_space<vmem_shared>>
      %dma_wait3A_46 = arith.constant 0 : i32
      %dma_wait3A_47 = tpu.memref_slice %arg7[%add3A_15, %dma_wait3A_46] : memref<10000x64xf32, #tpu.memory_space<vmem_shared>> -> memref<80x64xf32, #tpu.memory_space<vmem_shared>>
      tpu.wait_dma2 semaphore(%run_scoped3A : memref<!tpu.dma_semaphore, #tpu.memory_space<semaphore_mem>>) src(%arg11 : memref<80x64xf32, #tpu.memory_space<vmem>>) dst(%dma_wait3A_47 : memref<80x64xf32, #tpu.memory_space<vmem_shared>>)
      tpu.yield
    }) : () -> ()
    %add3A_16 = arith.constant 400 : i32
    %add3A_17 = arith.addi %multiple_of3A, %add3A_16 : i32
    "tpu.region"() ({
      %run_scoped3A = tpu.sem_alloc : memref<!tpu.dma_semaphore, #tpu.memory_space<semaphore_mem>>
      %dma_start3A = arith.constant 0 : i32
      %dma_start3A_42 = tpu.memref_slice %arg7[%add3A_17, %dma_start3A] : memref<10000x64xf32, #tpu.memory_space<vmem_shared>> -> memref<80x64xf32, #tpu.memory_space<vmem_shared>>
      %dma_start3A_43 = arith.constant 0 : i32
      %dma_start3A_44 = tpu.memref_slice %arg7[%add3A_17, %dma_start3A_43] : memref<10000x64xf32, #tpu.memory_space<vmem_shared>> -> memref<80x64xf32, #tpu.memory_space<vmem_shared>>
      tpu.enqueue_dma source(%arg11 : memref<80x64xf32, #tpu.memory_space<vmem>>) target(%dma_start3A_44 : memref<80x64xf32, #tpu.memory_space<vmem_shared>>) target_semaphore(%run_scoped3A : memref<!tpu.dma_semaphore, #tpu.memory_space<semaphore_mem>>)
      %dma_wait3A = arith.constant 0 : i32
      %dma_wait3A_45 = tpu.memref_slice %arg7[%add3A_17, %dma_wait3A] : memref<10000x64xf32, #tpu.memory_space<vmem_shared>> -> memref<80x64xf32, #tpu.memory_space<vmem_shared>>
      %dma_wait3A_46 = arith.constant 0 : i32
      %dma_wait3A_47 = tpu.memref_slice %arg7[%add3A_17, %dma_wait3A_46] : memref<10000x64xf32, #tpu.memory_space<vmem_shared>> -> memref<80x64xf32, #tpu.memory_space<vmem_shared>>
      tpu.wait_dma2 semaphore(%run_scoped3A : memref<!tpu.dma_semaphore, #tpu.memory_space<semaphore_mem>>) src(%arg11 : memref<80x64xf32, #tpu.memory_space<vmem>>) dst(%dma_wait3A_47 : memref<80x64xf32, #tpu.memory_space<vmem_shared>>)
      tpu.yield
    }) : () -> ()
    %add3A_18 = arith.constant 480 : i32
    %add3A_19 = arith.addi %multiple_of3A, %add3A_18 : i32
    "tpu.region"() ({
      %run_scoped3A = tpu.sem_alloc : memref<!tpu.dma_semaphore, #tpu.memory_space<semaphore_mem>>
      %dma_start3A = arith.constant 0 : i32
      %dma_start3A_42 = tpu.memref_slice %arg7[%add3A_19, %dma_start3A] : memref<10000x64xf32, #tpu.memory_space<vmem_shared>> -> memref<80x64xf32, #tpu.memory_space<vmem_shared>>
      %dma_start3A_43 = arith.constant 0 : i32
      %dma_start3A_44 = tpu.memref_slice %arg7[%add3A_19, %dma_start3A_43] : memref<10000x64xf32, #tpu.memory_space<vmem_shared>> -> memref<80x64xf32, #tpu.memory_space<vmem_shared>>
      tpu.enqueue_dma source(%arg11 : memref<80x64xf32, #tpu.memory_space<vmem>>) target(%dma_start3A_44 : memref<80x64xf32, #tpu.memory_space<vmem_shared>>) target_semaphore(%run_scoped3A : memref<!tpu.dma_semaphore, #tpu.memory_space<semaphore_mem>>)
      %dma_wait3A = arith.constant 0 : i32
      %dma_wait3A_45 = tpu.memref_slice %arg7[%add3A_19, %dma_wait3A] : memref<10000x64xf32, #tpu.memory_space<vmem_shared>> -> memref<80x64xf32, #tpu.memory_space<vmem_shared>>
      %dma_wait3A_46 = arith.constant 0 : i32
      %dma_wait3A_47 = tpu.memref_slice %arg7[%add3A_19, %dma_wait3A_46] : memref<10000x64xf32, #tpu.memory_space<vmem_shared>> -> memref<80x64xf32, #tpu.memory_space<vmem_shared>>
      tpu.wait_dma2 semaphore(%run_scoped3A : memref<!tpu.dma_semaphore, #tpu.memory_space<semaphore_mem>>) src(%arg11 : memref<80x64xf32, #tpu.memory_space<vmem>>) dst(%dma_wait3A_47 : memref<80x64xf32, #tpu.memory_space<vmem_shared>>)
      tpu.yield
    }) : () -> ()
    %add3A_20 = arith.constant 560 : i32
    %add3A_21 = arith.addi %multiple_of3A, %add3A_20 : i32
    "tpu.region"() ({
      %run_scoped3A = tpu.sem_alloc : memref<!tpu.dma_semaphore, #tpu.memory_space<semaphore_mem>>
      %dma_start3A = arith.constant 0 : i32
      %dma_start3A_42 = arith.constant 0 : i32
      %dma_start3A_43 = tpu.memref_slice %arg11[%dma_start3A, %dma_start3A_42] : memref<80x64xf32, #tpu.memory_space<vmem>> -> memref<64x64xf32, #tpu.memory_space<vmem>>
      %dma_start3A_44 = arith.constant 0 : i32
      %dma_start3A_45 = tpu.memref_slice %arg7[%add3A_21, %dma_start3A_44] : memref<10000x64xf32, #tpu.memory_space<vmem_shared>> -> memref<64x64xf32, #tpu.memory_space<vmem_shared>>
      %dma_start3A_46 = arith.constant 0 : i32
      %dma_start3A_47 = tpu.memref_slice %arg7[%add3A_21, %dma_start3A_46] : memref<10000x64xf32, #tpu.memory_space<vmem_shared>> -> memref<64x64xf32, #tpu.memory_space<vmem_shared>>
      %dma_start3A_48 = arith.constant 0 : i32
      %dma_start3A_49 = arith.constant 0 : i32
      %dma_start3A_50 = tpu.memref_slice %arg11[%dma_start3A_48, %dma_start3A_49] : memref<80x64xf32, #tpu.memory_space<vmem>> -> memref<64x64xf32, #tpu.memory_space<vmem>>
      tpu.enqueue_dma source(%dma_start3A_50 : memref<64x64xf32, #tpu.memory_space<vmem>>) target(%dma_start3A_47 : memref<64x64xf32, #tpu.memory_space<vmem_shared>>) target_semaphore(%run_scoped3A : memref<!tpu.dma_semaphore, #tpu.memory_space<semaphore_mem>>)
      %dma_wait3A = arith.constant 0 : i32
      %dma_wait3A_51 = arith.constant 0 : i32
      %dma_wait3A_52 = tpu.memref_slice %arg11[%dma_wait3A, %dma_wait3A_51] : memref<80x64xf32, #tpu.memory_space<vmem>> -> memref<64x64xf32, #tpu.memory_space<vmem>>
      %dma_wait3A_53 = arith.constant 0 : i32
      %dma_wait3A_54 = tpu.memref_slice %arg7[%add3A_21, %dma_wait3A_53] : memref<10000x64xf32, #tpu.memory_space<vmem_shared>> -> memref<64x64xf32, #tpu.memory_space<vmem_shared>>
      %dma_wait3A_55 = arith.constant 0 : i32
      %dma_wait3A_56 = tpu.memref_slice %arg7[%add3A_21, %dma_wait3A_55] : memref<10000x64xf32, #tpu.memory_space<vmem_shared>> -> memref<64x64xf32, #tpu.memory_space<vmem_shared>>
      %dma_wait3A_57 = arith.constant 0 : i32
      %dma_wait3A_58 = arith.constant 0 : i32
      %dma_wait3A_59 = tpu.memref_slice %arg11[%dma_wait3A_57, %dma_wait3A_58] : memref<80x64xf32, #tpu.memory_space<vmem>> -> memref<64x64xf32, #tpu.memory_space<vmem>>
      tpu.wait_dma2 semaphore(%run_scoped3A : memref<!tpu.dma_semaphore, #tpu.memory_space<semaphore_mem>>) src(%dma_wait3A_59 : memref<64x64xf32, #tpu.memory_space<vmem>>) dst(%dma_wait3A_56 : memref<64x64xf32, #tpu.memory_space<vmem_shared>>)
      tpu.yield
    }) : () -> ()
    %eq3A = arith.constant 0 : i32
    %eq3A_22 = arith.cmpi eq, %arg1, %eq3A : i32
    %convert_element_type3A = arith.extui %eq3A_22 : i1 to i32
    %cond3A = arith.constant 0 : i32
    %cond3A_23 = arith.cmpi ne, %convert_element_type3A, %cond3A : i32
    scf.if %cond3A_23 {
      "tpu.region"() ({
        %run_scoped3A = tpu.sem_alloc : memref<!tpu.dma_semaphore, #tpu.memory_space<semaphore_mem>>
        %dma_start3A = arith.constant 0 : i32
        %dma_start3A_42 = arith.constant 0 : i32
        %dma_start3A_43 = tpu.memref_slice %arg11[%dma_start3A, %dma_start3A_42] : memref<80x64xf32, #tpu.memory_space<vmem>> -> memref<16x64xf32, #tpu.memory_space<vmem>>
        %dma_start3A_44 = arith.constant 9984 : i32
        %dma_start3A_45 = arith.constant 0 : i32
        %dma_start3A_46 = tpu.memref_slice %arg7[%dma_start3A_44, %dma_start3A_45] : memref<10000x64xf32, #tpu.memory_space<vmem_shared>> -> memref<16x64xf32, #tpu.memory_space<vmem_shared>>
        %dma_start3A_47 = arith.constant 9984 : i32
        %dma_start3A_48 = arith.constant 0 : i32
        %dma_start3A_49 = tpu.memref_slice %arg7[%dma_start3A_47, %dma_start3A_48] : memref<10000x64xf32, #tpu.memory_space<vmem_shared>> -> memref<16x64xf32, #tpu.memory_space<vmem_shared>>
        %dma_start3A_50 = arith.constant 0 : i32
        %dma_start3A_51 = arith.constant 0 : i32
        %dma_start3A_52 = tpu.memref_slice %arg11[%dma_start3A_50, %dma_start3A_51] : memref<80x64xf32, #tpu.memory_space<vmem>> -> memref<16x64xf32, #tpu.memory_space<vmem>>
        tpu.enqueue_dma source(%dma_start3A_52 : memref<16x64xf32, #tpu.memory_space<vmem>>) target(%dma_start3A_49 : memref<16x64xf32, #tpu.memory_space<vmem_shared>>) target_semaphore(%run_scoped3A : memref<!tpu.dma_semaphore, #tpu.memory_space<semaphore_mem>>)
        %dma_wait3A = arith.constant 0 : i32
        %dma_wait3A_53 = arith.constant 0 : i32
        %dma_wait3A_54 = tpu.memref_slice %arg11[%dma_wait3A, %dma_wait3A_53] : memref<80x64xf32, #tpu.memory_space<vmem>> -> memref<16x64xf32, #tpu.memory_space<vmem>>
        %dma_wait3A_55 = arith.constant 9984 : i32
        %dma_wait3A_56 = arith.constant 0 : i32
        %dma_wait3A_57 = tpu.memref_slice %arg7[%dma_wait3A_55, %dma_wait3A_56] : memref<10000x64xf32, #tpu.memory_space<vmem_shared>> -> memref<16x64xf32, #tpu.memory_space<vmem_shared>>
        %dma_wait3A_58 = arith.constant 9984 : i32
        %dma_wait3A_59 = arith.constant 0 : i32
        %dma_wait3A_60 = tpu.memref_slice %arg7[%dma_wait3A_58, %dma_wait3A_59] : memref<10000x64xf32, #tpu.memory_space<vmem_shared>> -> memref<16x64xf32, #tpu.memory_space<vmem_shared>>
        %dma_wait3A_61 = arith.constant 0 : i32
        %dma_wait3A_62 = arith.constant 0 : i32
        %dma_wait3A_63 = tpu.memref_slice %arg11[%dma_wait3A_61, %dma_wait3A_62] : memref<80x64xf32, #tpu.memory_space<vmem>> -> memref<16x64xf32, #tpu.memory_space<vmem>>
        tpu.wait_dma2 semaphore(%run_scoped3A : memref<!tpu.dma_semaphore, #tpu.memory_space<semaphore_mem>>) src(%dma_wait3A_63 : memref<16x64xf32, #tpu.memory_space<vmem>>) dst(%dma_wait3A_60 : memref<16x64xf32, #tpu.memory_space<vmem_shared>>)
        tpu.yield
      }) : () -> ()
    } else {
    }
    %barrier3A = arith.constant 0 : index
    tpu.barrier barrier_id(%barrier3A)
    %mul3A_24 = arith.constant 16 : i32
    %mul3A_25 = arith.muli %arg0, %mul3A_24 : i32
    %add3A_26 = arith.addi %mul3A_25, %arg1 : i32
    %mul3A_27 = arith.constant 10000 : i32
    %mul3A_28 = arith.muli %add3A_26, %mul3A_27 : i32
    %scan3A_29 = arith.constant 0 : i32
    %scan3A_30 = arith.constant 0 : i32
    %scan3A_31 = arith.constant 125 : i32
    %scan3A_32 = arith.addi %scan3A_30, %scan3A_31 : i32
    %scan3A_33 = arith.constant 1 : i32
    %scan3A_34 = scf.for %scan3A_42 = %scan3A_30 to %scan3A_32 step %scan3A_33 iter_args(%scan3A_43 = %scan3A_29) -> (i32)  : i32 {
      %mul3A_44 = arith.constant 80 : i32
      %mul3A_45 = arith.muli %scan3A_42, %mul3A_44 : i32
      %add3A_46 = arith.addi %mul3A_28, %mul3A_45 : i32
      "tpu.region"() ({
        %run_scoped3A = tpu.sem_alloc : memref<!tpu.dma_semaphore, #tpu.memory_space<semaphore_mem>>
        %dma_start3A_59 = tpu.memref_slice %arg3[%add3A_46] : memref<320000xi32, #tpu.memory_space<hbm>> -> memref<80xi32, #tpu.memory_space<hbm>>
        %dma_start3A_60 = tpu.memref_slice %arg3[%add3A_46] : memref<320000xi32, #tpu.memory_space<hbm>> -> memref<80xi32, #tpu.memory_space<hbm>>
        tpu.enqueue_dma source(%dma_start3A_60 : memref<80xi32, #tpu.memory_space<hbm>>) target(%arg8 : memref<80xi32, #tpu.memory_space<vmem>>) target_semaphore(%run_scoped3A : memref<!tpu.dma_semaphore, #tpu.memory_space<semaphore_mem>>)
        %dma_wait3A_61 = tpu.memref_slice %arg3[%add3A_46] : memref<320000xi32, #tpu.memory_space<hbm>> -> memref<80xi32, #tpu.memory_space<hbm>>
        %dma_wait3A_62 = tpu.memref_slice %arg3[%add3A_46] : memref<320000xi32, #tpu.memory_space<hbm>> -> memref<80xi32, #tpu.memory_space<hbm>>
        tpu.wait_dma2 semaphore(%run_scoped3A : memref<!tpu.dma_semaphore, #tpu.memory_space<semaphore_mem>>) src(%dma_wait3A_62 : memref<80xi32, #tpu.memory_space<hbm>>) dst(%arg8 : memref<80xi32, #tpu.memory_space<vmem>>)
        tpu.yield
      }) : () -> ()
      "tpu.region"() ({
        %run_scoped3A = tpu.sem_alloc : memref<!tpu.dma_semaphore, #tpu.memory_space<semaphore_mem>>
        %dma_start3A_59 = tpu.memref_slice %arg4[%add3A_46] : memref<320000xi32, #tpu.memory_space<hbm>> -> memref<80xi32, #tpu.memory_space<hbm>>
        %dma_start3A_60 = tpu.memref_slice %arg4[%add3A_46] : memref<320000xi32, #tpu.memory_space<hbm>> -> memref<80xi32, #tpu.memory_space<hbm>>
        tpu.enqueue_dma source(%dma_start3A_60 : memref<80xi32, #tpu.memory_space<hbm>>) target(%arg9 : memref<80xi32, #tpu.memory_space<vmem>>) target_semaphore(%run_scoped3A : memref<!tpu.dma_semaphore, #tpu.memory_space<semaphore_mem>>)
        %dma_wait3A_61 = tpu.memref_slice %arg4[%add3A_46] : memref<320000xi32, #tpu.memory_space<hbm>> -> memref<80xi32, #tpu.memory_space<hbm>>
        %dma_wait3A_62 = tpu.memref_slice %arg4[%add3A_46] : memref<320000xi32, #tpu.memory_space<hbm>> -> memref<80xi32, #tpu.memory_space<hbm>>
        tpu.wait_dma2 semaphore(%run_scoped3A : memref<!tpu.dma_semaphore, #tpu.memory_space<semaphore_mem>>) src(%dma_wait3A_62 : memref<80xi32, #tpu.memory_space<hbm>>) dst(%arg9 : memref<80xi32, #tpu.memory_space<vmem>>)
        tpu.yield
      }) : () -> ()
      "tpu.region"() ({
        %run_scoped3A = tpu.sem_alloc : memref<!tpu.dma_semaphore, #tpu.memory_space<semaphore_mem>>
        %dma_start3A_59 = tpu.memref_slice %arg5[%add3A_46] : memref<320000xf32, #tpu.memory_space<hbm>> -> memref<80xf32, #tpu.memory_space<hbm>>
        %dma_start3A_60 = tpu.memref_slice %arg5[%add3A_46] : memref<320000xf32, #tpu.memory_space<hbm>> -> memref<80xf32, #tpu.memory_space<hbm>>
        tpu.enqueue_dma source(%dma_start3A_60 : memref<80xf32, #tpu.memory_space<hbm>>) target(%arg10 : memref<80xf32, #tpu.memory_space<vmem>>) target_semaphore(%run_scoped3A : memref<!tpu.dma_semaphore, #tpu.memory_space<semaphore_mem>>)
        %dma_wait3A_61 = tpu.memref_slice %arg5[%add3A_46] : memref<320000xf32, #tpu.memory_space<hbm>> -> memref<80xf32, #tpu.memory_space<hbm>>
        %dma_wait3A_62 = tpu.memref_slice %arg5[%add3A_46] : memref<320000xf32, #tpu.memory_space<hbm>> -> memref<80xf32, #tpu.memory_space<hbm>>
        tpu.wait_dma2 semaphore(%run_scoped3A : memref<!tpu.dma_semaphore, #tpu.memory_space<semaphore_mem>>) src(%dma_wait3A_62 : memref<80xf32, #tpu.memory_space<hbm>>) dst(%arg10 : memref<80xf32, #tpu.memory_space<vmem>>)
        tpu.yield
      }) : () -> ()
      %dma_start3A = arith.constant 0 : i32
      %dma_start3A_47 = arith.constant 0 : i32
      %dma_start3A_48 = tpu.memref_slice %arg2[%dma_start3A, %dma_start3A_47] : memref<10000x64xf32, #tpu.memory_space<hbm>> -> memref<10000x64xf32, #tpu.memory_space<hbm>>
      tpu.enqueue_indirect_dma source(%dma_start3A_48 : memref<10000x64xf32, #tpu.memory_space<hbm>>) target(%arg11 : memref<80x64xf32, #tpu.memory_space<vmem>>) offsets(%arg8 : memref<80xi32, #tpu.memory_space<vmem>>) semaphore(%arg12 : memref<!tpu.dma_semaphore, #tpu.memory_space<semaphore_mem>>)
      %dma_wait3A = arith.constant 0 : i32
      %dma_wait3A_49 = arith.constant 0 : i32
      %dma_wait3A_50 = tpu.memref_slice %arg2[%dma_wait3A, %dma_wait3A_49] : memref<10000x64xf32, #tpu.memory_space<hbm>> -> memref<10000x64xf32, #tpu.memory_space<hbm>>
      tpu.wait_indirect_dma semaphore(%arg12 : memref<!tpu.dma_semaphore, #tpu.memory_space<semaphore_mem>>) src(%dma_wait3A_50 : memref<10000x64xf32, #tpu.memory_space<hbm>>) dst(%arg11 : memref<80x64xf32, #tpu.memory_space<vmem>>)
      %scan3A_51 = arith.constant 0 : i32
      %scan3A_52 = arith.constant 0 : i32
      %scan3A_53 = arith.constant 5 : i32
      %scan3A_54 = arith.addi %scan3A_52, %scan3A_53 : i32
      %scan3A_55 = arith.constant 1 : i32
      %scan3A_56 = scf.for %scan3A_59 = %scan3A_52 to %scan3A_54 step %scan3A_55 iter_args(%scan3A_60 = %scan3A_51) -> (i32)  : i32 {
        %mul3A_61 = arith.constant 16 : i32
        %mul3A_62 = arith.muli %scan3A_59, %mul3A_61 : i32
        %get3A = arith.index_cast %mul3A_62 : i32 to index
        %get3A_63 = tpu.vector_load %arg10[%get3A] {strides = array<i32>} : memref<80xf32, #tpu.memory_space<vmem>>, vector<16xf32>,
        %get3A_64 = vector.shape_cast %get3A_63 : vector<16xf32> to vector<16xf32>
        %mul3A_65 = arith.constant 16 : i32
        %mul3A_66 = arith.muli %scan3A_59, %mul3A_65 : i32
        %add3A_67 = arith.constant 0 : i32
        %add3A_68 = arith.addi %mul3A_66, %add3A_67 : i32
        %slice3A = vector.extract_strided_slice %get3A_64 {offsets = [0], sizes = [1], strides = [1]} : vector<16xf32> to vector<1xf32>
        %squeeze3A = vector.extract %slice3A[0] : f32 from vector<1xf32>
        %broadcast_in_dim3A = vector.broadcast %squeeze3A : f32 to vector<16xf32>
        %get3A_69 = arith.index_cast %add3A_68 : i32 to index
        %get3A_70 = arith.constant 0 : index
        %get3A_71 = tpu.vector_load %arg11[%get3A_69, %get3A_70] {strides = array<i32>} : memref<80x64xf32, #tpu.memory_space<vmem>>, vector<1x16xf32>,
        %get3A_72 = vector.shape_cast %get3A_71 : vector<1x16xf32> to vector<16xf32>
        %mul3A_73 = arith.mulf %get3A_72, %broadcast_in_dim3A : vector<16xf32>
        %swap3A = arith.index_cast %add3A_68 : i32 to index
        %swap3A_74 = arith.constant 0 : index
        %swap3A_75 = tpu.vector_load %arg11[%swap3A, %swap3A_74] {strides = array<i32>} : memref<80x64xf32, #tpu.memory_space<vmem>>, vector<1x16xf32>,
        %swap3A_76 = vector.shape_cast %swap3A_75 : vector<1x16xf32> to vector<16xf32>
        %swap3A_77 = vector.shape_cast %mul3A_73 : vector<16xf32> to vector<1x16xf32>
        tpu.vector_store %arg11[%swap3A, %swap3A_74], %swap3A_77 {strides = array<i32>} : memref<80x64xf32, #tpu.memory_space<vmem>>, vector<1x16xf32>,
        %get3A_78 = arith.index_cast %add3A_68 : i32 to index
        %get3A_79 = arith.constant 16 : index
        %get3A_80 = tpu.vector_load %arg11[%get3A_78, %get3A_79] {strides = array<i32>} : memref<80x64xf32, #tpu.memory_space<vmem>>, vector<1x16xf32>,
        %get3A_81 = vector.shape_cast %get3A_80 : vector<1x16xf32> to vector<16xf32>
        %mul3A_82 = arith.mulf %get3A_81, %broadcast_in_dim3A : vector<16xf32>
        %swap3A_83 = arith.index_cast %add3A_68 : i32 to index
        %swap3A_84 = arith.constant 16 : index
        %swap3A_85 = tpu.vector_load %arg11[%swap3A_83, %swap3A_84] {strides = array<i32>} : memref<80x64xf32, #tpu.memory_space<vmem>>, vector<1x16xf32>,
        %swap3A_86 = vector.shape_cast %swap3A_85 : vector<1x16xf32> to vector<16xf32>
        %swap3A_87 = vector.shape_cast %mul3A_82 : vector<16xf32> to vector<1x16xf32>
        tpu.vector_store %arg11[%swap3A_83, %swap3A_84], %swap3A_87 {strides = array<i32>} : memref<80x64xf32, #tpu.memory_space<vmem>>, vector<1x16xf32>,
        %get3A_88 = arith.index_cast %add3A_68 : i32 to index
        %get3A_89 = arith.constant 32 : index
        %get3A_90 = tpu.vector_load %arg11[%get3A_88, %get3A_89] {strides = array<i32>} : memref<80x64xf32, #tpu.memory_space<vmem>>, vector<1x16xf32>,
        %get3A_91 = vector.shape_cast %get3A_90 : vector<1x16xf32> to vector<16xf32>
        %mul3A_92 = arith.mulf %get3A_91, %broadcast_in_dim3A : vector<16xf32>
        %swap3A_93 = arith.index_cast %add3A_68 : i32 to index
        %swap3A_94 = arith.constant 32 : index
        %swap3A_95 = tpu.vector_load %arg11[%swap3A_93, %swap3A_94] {strides = array<i32>} : memref<80x64xf32, #tpu.memory_space<vmem>>, vector<1x16xf32>,
        %swap3A_96 = vector.shape_cast %swap3A_95 : vector<1x16xf32> to vector<16xf32>
        %swap3A_97 = vector.shape_cast %mul3A_92 : vector<16xf32> to vector<1x16xf32>
        tpu.vector_store %arg11[%swap3A_93, %swap3A_94], %swap3A_97 {strides = array<i32>} : memref<80x64xf32, #tpu.memory_space<vmem>>, vector<1x16xf32>,
        %get3A_98 = arith.index_cast %add3A_68 : i32 to index
        %get3A_99 = arith.constant 48 : index
        %get3A_100 = tpu.vector_load %arg11[%get3A_98, %get3A_99] {strides = array<i32>} : memref<80x64xf32, #tpu.memory_space<vmem>>, vector<1x16xf32>,
        %get3A_101 = vector.shape_cast %get3A_100 : vector<1x16xf32> to vector<16xf32>
        %mul3A_102 = arith.mulf %get3A_101, %broadcast_in_dim3A : vector<16xf32>
        %swap3A_103 = arith.index_cast %add3A_68 : i32 to index
        %swap3A_104 = arith.constant 48 : index
        %swap3A_105 = tpu.vector_load %arg11[%swap3A_103, %swap3A_104] {strides = array<i32>} : memref<80x64xf32, #tpu.memory_space<vmem>>, vector<1x16xf32>,
        %swap3A_106 = vector.shape_cast %swap3A_105 : vector<1x16xf32> to vector<16xf32>
        %swap3A_107 = vector.shape_cast %mul3A_102 : vector<16xf32> to vector<1x16xf32>
        tpu.vector_store %arg11[%swap3A_103, %swap3A_104], %swap3A_107 {strides = array<i32>} : memref<80x64xf32, #tpu.memory_space<vmem>>, vector<1x16xf32>,
        %mul3A_108 = arith.constant 16 : i32
        %mul3A_109 = arith.muli %scan3A_59, %mul3A_108 : i32
        %add3A_110 = arith.constant 1 : i32
        %add3A_111 = arith.addi %mul3A_109, %add3A_110 : i32
        %slice3A_112 = vector.extract_strided_slice %get3A_64 {offsets = [1], sizes = [1], strides = [1]} : vector<16xf32> to vector<1xf32>
        %squeeze3A_113 = vector.extract %slice3A_112[0] : f32 from vector<1xf32>
        %broadcast_in_dim3A_114 = vector.broadcast %squeeze3A_113 : f32 to vector<16xf32>
        %get3A_115 = arith.index_cast %add3A_111 : i32 to index
        %get3A_116 = arith.constant 0 : index
        %get3A_117 = tpu.vector_load %arg11[%get3A_115, %get3A_116] {strides = array<i32>} : memref<80x64xf32, #tpu.memory_space<vmem>>, vector<1x16xf32>,
        %get3A_118 = vector.shape_cast %get3A_117 : vector<1x16xf32> to vector<16xf32>
        %mul3A_119 = arith.mulf %get3A_118, %broadcast_in_dim3A_114 : vector<16xf32>
        %swap3A_120 = arith.index_cast %add3A_111 : i32 to index
        %swap3A_121 = arith.constant 0 : index
        %swap3A_122 = tpu.vector_load %arg11[%swap3A_120, %swap3A_121] {strides = array<i32>} : memref<80x64xf32, #tpu.memory_space<vmem>>, vector<1x16xf32>,
        %swap3A_123 = vector.shape_cast %swap3A_122 : vector<1x16xf32> to vector<16xf32>
        %swap3A_124 = vector.shape_cast %mul3A_119 : vector<16xf32> to vector<1x16xf32>
        tpu.vector_store %arg11[%swap3A_120, %swap3A_121], %swap3A_124 {strides = array<i32>} : memref<80x64xf32, #tpu.memory_space<vmem>>, vector<1x16xf32>,
        %get3A_125 = arith.index_cast %add3A_111 : i32 to index
        %get3A_126 = arith.constant 16 : index
        %get3A_127 = tpu.vector_load %arg11[%get3A_125, %get3A_126] {strides = array<i32>} : memref<80x64xf32, #tpu.memory_space<vmem>>, vector<1x16xf32>,
        %get3A_128 = vector.shape_cast %get3A_127 : vector<1x16xf32> to vector<16xf32>
        %mul3A_129 = arith.mulf %get3A_128, %broadcast_in_dim3A_114 : vector<16xf32>
        %swap3A_130 = arith.index_cast %add3A_111 : i32 to index
        %swap3A_131 = arith.constant 16 : index
        %swap3A_132 = tpu.vector_load %arg11[%swap3A_130, %swap3A_131] {strides = array<i32>} : memref<80x64xf32, #tpu.memory_space<vmem>>, vector<1x16xf32>,
        %swap3A_133 = vector.shape_cast %swap3A_132 : vector<1x16xf32> to vector<16xf32>
        %swap3A_134 = vector.shape_cast %mul3A_129 : vector<16xf32> to vector<1x16xf32>
        tpu.vector_store %arg11[%swap3A_130, %swap3A_131], %swap3A_134 {strides = array<i32>} : memref<80x64xf32, #tpu.memory_space<vmem>>, vector<1x16xf32>,
        %get3A_135 = arith.index_cast %add3A_111 : i32 to index
        %get3A_136 = arith.constant 32 : index
        %get3A_137 = tpu.vector_load %arg11[%get3A_135, %get3A_136] {strides = array<i32>} : memref<80x64xf32, #tpu.memory_space<vmem>>, vector<1x16xf32>,
        %get3A_138 = vector.shape_cast %get3A_137 : vector<1x16xf32> to vector<16xf32>
        %mul3A_139 = arith.mulf %get3A_138, %broadcast_in_dim3A_114 : vector<16xf32>
        %swap3A_140 = arith.index_cast %add3A_111 : i32 to index
        %swap3A_141 = arith.constant 32 : index
        %swap3A_142 = tpu.vector_load %arg11[%swap3A_140, %swap3A_141] {strides = array<i32>} : memref<80x64xf32, #tpu.memory_space<vmem>>, vector<1x16xf32>,
        %swap3A_143 = vector.shape_cast %swap3A_142 : vector<1x16xf32> to vector<16xf32>
        %swap3A_144 = vector.shape_cast %mul3A_139 : vector<16xf32> to vector<1x16xf32>
        tpu.vector_store %arg11[%swap3A_140, %swap3A_141], %swap3A_144 {strides = array<i32>} : memref<80x64xf32, #tpu.memory_space<vmem>>, vector<1x16xf32>,
        %get3A_145 = arith.index_cast %add3A_111 : i32 to index
        %get3A_146 = arith.constant 48 : index
        %get3A_147 = tpu.vector_load %arg11[%get3A_145, %get3A_146] {strides = array<i32>} : memref<80x64xf32, #tpu.memory_space<vmem>>, vector<1x16xf32>,
        %get3A_148 = vector.shape_cast %get3A_147 : vector<1x16xf32> to vector<16xf32>
        %mul3A_149 = arith.mulf %get3A_148, %broadcast_in_dim3A_114 : vector<16xf32>
        %swap3A_150 = arith.index_cast %add3A_111 : i32 to index
        %swap3A_151 = arith.constant 48 : index
        %swap3A_152 = tpu.vector_load %arg11[%swap3A_150, %swap3A_151] {strides = array<i32>} : memref<80x64xf32, #tpu.memory_space<vmem>>, vector<1x16xf32>,
        %swap3A_153 = vector.shape_cast %swap3A_152 : vector<1x16xf32> to vector<16xf32>
        %swap3A_154 = vector.shape_cast %mul3A_149 : vector<16xf32> to vector<1x16xf32>
        tpu.vector_store %arg11[%swap3A_150, %swap3A_151], %swap3A_154 {strides = array<i32>} : memref<80x64xf32, #tpu.memory_space<vmem>>, vector<1x16xf32>,
        %mul3A_155 = arith.constant 16 : i32
        %mul3A_156 = arith.muli %scan3A_59, %mul3A_155 : i32
        %add3A_157 = arith.constant 2 : i32
        %add3A_158 = arith.addi %mul3A_156, %add3A_157 : i32
        %slice3A_159 = vector.extract_strided_slice %get3A_64 {offsets = [2], sizes = [1], strides = [1]} : vector<16xf32> to vector<1xf32>
        %squeeze3A_160 = vector.extract %slice3A_159[0] : f32 from vector<1xf32>
        %broadcast_in_dim3A_161 = vector.broadcast %squeeze3A_160 : f32 to vector<16xf32>
        %get3A_162 = arith.index_cast %add3A_158 : i32 to index
        %get3A_163 = arith.constant 0 : index
        %get3A_164 = tpu.vector_load %arg11[%get3A_162, %get3A_163] {strides = array<i32>} : memref<80x64xf32, #tpu.memory_space<vmem>>, vector<1x16xf32>,
        %get3A_165 = vector.shape_cast %get3A_164 : vector<1x16xf32> to vector<16xf32>
        %mul3A_166 = arith.mulf %get3A_165, %broadcast_in_dim3A_161 : vector<16xf32>
        %swap3A_167 = arith.index_cast %add3A_158 : i32 to index
        %swap3A_168 = arith.constant 0 : index
        %swap3A_169 = tpu.vector_load %arg11[%swap3A_167, %swap3A_168] {strides = array<i32>} : memref<80x64xf32, #tpu.memory_space<vmem>>, vector<1x16xf32>,
        %swap3A_170 = vector.shape_cast %swap3A_169 : vector<1x16xf32> to vector<16xf32>
        %swap3A_171 = vector.shape_cast %mul3A_166 : vector<16xf32> to vector<1x16xf32>
        tpu.vector_store %arg11[%swap3A_167, %swap3A_168], %swap3A_171 {strides = array<i32>} : memref<80x64xf32, #tpu.memory_space<vmem>>, vector<1x16xf32>,
        %get3A_172 = arith.index_cast %add3A_158 : i32 to index
        %get3A_173 = arith.constant 16 : index
        %get3A_174 = tpu.vector_load %arg11[%get3A_172, %get3A_173] {strides = array<i32>} : memref<80x64xf32, #tpu.memory_space<vmem>>, vector<1x16xf32>,
        %get3A_175 = vector.shape_cast %get3A_174 : vector<1x16xf32> to vector<16xf32>
        %mul3A_176 = arith.mulf %get3A_175, %broadcast_in_dim3A_161 : vector<16xf32>
        %swap3A_177 = arith.index_cast %add3A_158 : i32 to index
        %swap3A_178 = arith.constant 16 : index
        %swap3A_179 = tpu.vector_load %arg11[%swap3A_177, %swap3A_178] {strides = array<i32>} : memref<80x64xf32, #tpu.memory_space<vmem>>, vector<1x16xf32>,
        %swap3A_180 = vector.shape_cast %swap3A_179 : vector<1x16xf32> to vector<16xf32>
        %swap3A_181 = vector.shape_cast %mul3A_176 : vector<16xf32> to vector<1x16xf32>
        tpu.vector_store %arg11[%swap3A_177, %swap3A_178], %swap3A_181 {strides = array<i32>} : memref<80x64xf32, #tpu.memory_space<vmem>>, vector<1x16xf32>,
        %get3A_182 = arith.index_cast %add3A_158 : i32 to index
        %get3A_183 = arith.constant 32 : index
        %get3A_184 = tpu.vector_load %arg11[%get3A_182, %get3A_183] {strides = array<i32>} : memref<80x64xf32, #tpu.memory_space<vmem>>, vector<1x16xf32>,
        %get3A_185 = vector.shape_cast %get3A_184 : vector<1x16xf32> to vector<16xf32>
        %mul3A_186 = arith.mulf %get3A_185, %broadcast_in_dim3A_161 : vector<16xf32>
        %swap3A_187 = arith.index_cast %add3A_158 : i32 to index
        %swap3A_188 = arith.constant 32 : index
        %swap3A_189 = tpu.vector_load %arg11[%swap3A_187, %swap3A_188] {strides = array<i32>} : memref<80x64xf32, #tpu.memory_space<vmem>>, vector<1x16xf32>,
        %swap3A_190 = vector.shape_cast %swap3A_189 : vector<1x16xf32> to vector<16xf32>
        %swap3A_191 = vector.shape_cast %mul3A_186 : vector<16xf32> to vector<1x16xf32>
        tpu.vector_store %arg11[%swap3A_187, %swap3A_188], %swap3A_191 {strides = array<i32>} : memref<80x64xf32, #tpu.memory_space<vmem>>, vector<1x16xf32>,
        %get3A_192 = arith.index_cast %add3A_158 : i32 to index
        %get3A_193 = arith.constant 48 : index
        %get3A_194 = tpu.vector_load %arg11[%get3A_192, %get3A_193] {strides = array<i32>} : memref<80x64xf32, #tpu.memory_space<vmem>>, vector<1x16xf32>,
        %get3A_195 = vector.shape_cast %get3A_194 : vector<1x16xf32> to vector<16xf32>
        %mul3A_196 = arith.mulf %get3A_195, %broadcast_in_dim3A_161 : vector<16xf32>
        %swap3A_197 = arith.index_cast %add3A_158 : i32 to index
        %swap3A_198 = arith.constant 48 : index
        %swap3A_199 = tpu.vector_load %arg11[%swap3A_197, %swap3A_198] {strides = array<i32>} : memref<80x64xf32, #tpu.memory_space<vmem>>, vector<1x16xf32>,
        %swap3A_200 = vector.shape_cast %swap3A_199 : vector<1x16xf32> to vector<16xf32>
        %swap3A_201 = vector.shape_cast %mul3A_196 : vector<16xf32> to vector<1x16xf32>
        tpu.vector_store %arg11[%swap3A_197, %swap3A_198], %swap3A_201 {strides = array<i32>} : memref<80x64xf32, #tpu.memory_space<vmem>>, vector<1x16xf32>,
        %mul3A_202 = arith.constant 16 : i32
        %mul3A_203 = arith.muli %scan3A_59, %mul3A_202 : i32
        %add3A_204 = arith.constant 3 : i32
        %add3A_205 = arith.addi %mul3A_203, %add3A_204 : i32
        %slice3A_206 = vector.extract_strided_slice %get3A_64 {offsets = [3], sizes = [1], strides = [1]} : vector<16xf32> to vector<1xf32>
        %squeeze3A_207 = vector.extract %slice3A_206[0] : f32 from vector<1xf32>
        %broadcast_in_dim3A_208 = vector.broadcast %squeeze3A_207 : f32 to vector<16xf32>
        %get3A_209 = arith.index_cast %add3A_205 : i32 to index
        %get3A_210 = arith.constant 0 : index
        %get3A_211 = tpu.vector_load %arg11[%get3A_209, %get3A_210] {strides = array<i32>} : memref<80x64xf32, #tpu.memory_space<vmem>>, vector<1x16xf32>,
        %get3A_212 = vector.shape_cast %get3A_211 : vector<1x16xf32> to vector<16xf32>
        %mul3A_213 = arith.mulf %get3A_212, %broadcast_in_dim3A_208 : vector<16xf32>
        %swap3A_214 = arith.index_cast %add3A_205 : i32 to index
        %swap3A_215 = arith.constant 0 : index
        %swap3A_216 = tpu.vector_load %arg11[%swap3A_214, %swap3A_215] {strides = array<i32>} : memref<80x64xf32, #tpu.memory_space<vmem>>, vector<1x16xf32>,
        %swap3A_217 = vector.shape_cast %swap3A_216 : vector<1x16xf32> to vector<16xf32>
        %swap3A_218 = vector.shape_cast %mul3A_213 : vector<16xf32> to vector<1x16xf32>
        tpu.vector_store %arg11[%swap3A_214, %swap3A_215], %swap3A_218 {strides = array<i32>} : memref<80x64xf32, #tpu.memory_space<vmem>>, vector<1x16xf32>,
        %get3A_219 = arith.index_cast %add3A_205 : i32 to index
        %get3A_220 = arith.constant 16 : index
        %get3A_221 = tpu.vector_load %arg11[%get3A_219, %get3A_220] {strides = array<i32>} : memref<80x64xf32, #tpu.memory_space<vmem>>, vector<1x16xf32>,
        %get3A_222 = vector.shape_cast %get3A_221 : vector<1x16xf32> to vector<16xf32>
        %mul3A_223 = arith.mulf %get3A_222, %broadcast_in_dim3A_208 : vector<16xf32>
        %swap3A_224 = arith.index_cast %add3A_205 : i32 to index
        %swap3A_225 = arith.constant 16 : index
        %swap3A_226 = tpu.vector_load %arg11[%swap3A_224, %swap3A_225] {strides = array<i32>} : memref<80x64xf32, #tpu.memory_space<vmem>>, vector<1x16xf32>,
        %swap3A_227 = vector.shape_cast %swap3A_226 : vector<1x16xf32> to vector<16xf32>
        %swap3A_228 = vector.shape_cast %mul3A_223 : vector<16xf32> to vector<1x16xf32>
        tpu.vector_store %arg11[%swap3A_224, %swap3A_225], %swap3A_228 {strides = array<i32>} : memref<80x64xf32, #tpu.memory_space<vmem>>, vector<1x16xf32>,
        %get3A_229 = arith.index_cast %add3A_205 : i32 to index
        %get3A_230 = arith.constant 32 : index
        %get3A_231 = tpu.vector_load %arg11[%get3A_229, %get3A_230] {strides = array<i32>} : memref<80x64xf32, #tpu.memory_space<vmem>>, vector<1x16xf32>,
        %get3A_232 = vector.shape_cast %get3A_231 : vector<1x16xf32> to vector<16xf32>
        %mul3A_233 = arith.mulf %get3A_232, %broadcast_in_dim3A_208 : vector<16xf32>
        %swap3A_234 = arith.index_cast %add3A_205 : i32 to index
        %swap3A_235 = arith.constant 32 : index
        %swap3A_236 = tpu.vector_load %arg11[%swap3A_234, %swap3A_235] {strides = array<i32>} : memref<80x64xf32, #tpu.memory_space<vmem>>, vector<1x16xf32>,
        %swap3A_237 = vector.shape_cast %swap3A_236 : vector<1x16xf32> to vector<16xf32>
        %swap3A_238 = vector.shape_cast %mul3A_233 : vector<16xf32> to vector<1x16xf32>
        tpu.vector_store %arg11[%swap3A_234, %swap3A_235], %swap3A_238 {strides = array<i32>} : memref<80x64xf32, #tpu.memory_space<vmem>>, vector<1x16xf32>,
        %get3A_239 = arith.index_cast %add3A_205 : i32 to index
        %get3A_240 = arith.constant 48 : index
        %get3A_241 = tpu.vector_load %arg11[%get3A_239, %get3A_240] {strides = array<i32>} : memref<80x64xf32, #tpu.memory_space<vmem>>, vector<1x16xf32>,
        %get3A_242 = vector.shape_cast %get3A_241 : vector<1x16xf32> to vector<16xf32>
        %mul3A_243 = arith.mulf %get3A_242, %broadcast_in_dim3A_208 : vector<16xf32>
        %swap3A_244 = arith.index_cast %add3A_205 : i32 to index
        %swap3A_245 = arith.constant 48 : index
        %swap3A_246 = tpu.vector_load %arg11[%swap3A_244, %swap3A_245] {strides = array<i32>} : memref<80x64xf32, #tpu.memory_space<vmem>>, vector<1x16xf32>,
        %swap3A_247 = vector.shape_cast %swap3A_246 : vector<1x16xf32> to vector<16xf32>
        %swap3A_248 = vector.shape_cast %mul3A_243 : vector<16xf32> to vector<1x16xf32>
        tpu.vector_store %arg11[%swap3A_244, %swap3A_245], %swap3A_248 {strides = array<i32>} : memref<80x64xf32, #tpu.memory_space<vmem>>, vector<1x16xf32>,
        %mul3A_249 = arith.constant 16 : i32
        %mul3A_250 = arith.muli %scan3A_59, %mul3A_249 : i32
        %add3A_251 = arith.constant 4 : i32
        %add3A_252 = arith.addi %mul3A_250, %add3A_251 : i32
        %slice3A_253 = vector.extract_strided_slice %get3A_64 {offsets = [4], sizes = [1], strides = [1]} : vector<16xf32> to vector<1xf32>
        %squeeze3A_254 = vector.extract %slice3A_253[0] : f32 from vector<1xf32>
        %broadcast_in_dim3A_255 = vector.broadcast %squeeze3A_254 : f32 to vector<16xf32>
        %get3A_256 = arith.index_cast %add3A_252 : i32 to index
        %get3A_257 = arith.constant 0 : index
        %get3A_258 = tpu.vector_load %arg11[%get3A_256, %get3A_257] {strides = array<i32>} : memref<80x64xf32, #tpu.memory_space<vmem>>, vector<1x16xf32>,
        %get3A_259 = vector.shape_cast %get3A_258 : vector<1x16xf32> to vector<16xf32>
        %mul3A_260 = arith.mulf %get3A_259, %broadcast_in_dim3A_255 : vector<16xf32>
        %swap3A_261 = arith.index_cast %add3A_252 : i32 to index
        %swap3A_262 = arith.constant 0 : index
        %swap3A_263 = tpu.vector_load %arg11[%swap3A_261, %swap3A_262] {strides = array<i32>} : memref<80x64xf32, #tpu.memory_space<vmem>>, vector<1x16xf32>,
        %swap3A_264 = vector.shape_cast %swap3A_263 : vector<1x16xf32> to vector<16xf32>
        %swap3A_265 = vector.shape_cast %mul3A_260 : vector<16xf32> to vector<1x16xf32>
        tpu.vector_store %arg11[%swap3A_261, %swap3A_262], %swap3A_265 {strides = array<i32>} : memref<80x64xf32, #tpu.memory_space<vmem>>, vector<1x16xf32>,
        %get3A_266 = arith.index_cast %add3A_252 : i32 to index
        %get3A_267 = arith.constant 16 : index
        %get3A_268 = tpu.vector_load %arg11[%get3A_266, %get3A_267] {strides = array<i32>} : memref<80x64xf32, #tpu.memory_space<vmem>>, vector<1x16xf32>,
        %get3A_269 = vector.shape_cast %get3A_268 : vector<1x16xf32> to vector<16xf32>
        %mul3A_270 = arith.mulf %get3A_269, %broadcast_in_dim3A_255 : vector<16xf32>
        %swap3A_271 = arith.index_cast %add3A_252 : i32 to index
        %swap3A_272 = arith.constant 16 : index
        %swap3A_273 = tpu.vector_load %arg11[%swap3A_271, %swap3A_272] {strides = array<i32>} : memref<80x64xf32, #tpu.memory_space<vmem>>, vector<1x16xf32>,
        %swap3A_274 = vector.shape_cast %swap3A_273 : vector<1x16xf32> to vector<16xf32>
        %swap3A_275 = vector.shape_cast %mul3A_270 : vector<16xf32> to vector<1x16xf32>
        tpu.vector_store %arg11[%swap3A_271, %swap3A_272], %swap3A_275 {strides = array<i32>} : memref<80x64xf32, #tpu.memory_space<vmem>>, vector<1x16xf32>,
        %get3A_276 = arith.index_cast %add3A_252 : i32 to index
        %get3A_277 = arith.constant 32 : index
        %get3A_278 = tpu.vector_load %arg11[%get3A_276, %get3A_277] {strides = array<i32>} : memref<80x64xf32, #tpu.memory_space<vmem>>, vector<1x16xf32>,
        %get3A_279 = vector.shape_cast %get3A_278 : vector<1x16xf32> to vector<16xf32>
        %mul3A_280 = arith.mulf %get3A_279, %broadcast_in_dim3A_255 : vector<16xf32>
        %swap3A_281 = arith.index_cast %add3A_252 : i32 to index
        %swap3A_282 = arith.constant 32 : index
        %swap3A_283 = tpu.vector_load %arg11[%swap3A_281, %swap3A_282] {strides = array<i32>} : memref<80x64xf32, #tpu.memory_space<vmem>>, vector<1x16xf32>,
        %swap3A_284 = vector.shape_cast %swap3A_283 : vector<1x16xf32> to vector<16xf32>
        %swap3A_285 = vector.shape_cast %mul3A_280 : vector<16xf32> to vector<1x16xf32>
        tpu.vector_store %arg11[%swap3A_281, %swap3A_282], %swap3A_285 {strides = array<i32>} : memref<80x64xf32, #tpu.memory_space<vmem>>, vector<1x16xf32>,
        %get3A_286 = arith.index_cast %add3A_252 : i32 to index
        %get3A_287 = arith.constant 48 : index
        %get3A_288 = tpu.vector_load %arg11[%get3A_286, %get3A_287] {strides = array<i32>} : memref<80x64xf32, #tpu.memory_space<vmem>>, vector<1x16xf32>,
        %get3A_289 = vector.shape_cast %get3A_288 : vector<1x16xf32> to vector<16xf32>
        %mul3A_290 = arith.mulf %get3A_289, %broadcast_in_dim3A_255 : vector<16xf32>
        %swap3A_291 = arith.index_cast %add3A_252 : i32 to index
        %swap3A_292 = arith.constant 48 : index
        %swap3A_293 = tpu.vector_load %arg11[%swap3A_291, %swap3A_292] {strides = array<i32>} : memref<80x64xf32, #tpu.memory_space<vmem>>, vector<1x16xf32>,
        %swap3A_294 = vector.shape_cast %swap3A_293 : vector<1x16xf32> to vector<16xf32>
        %swap3A_295 = vector.shape_cast %mul3A_290 : vector<16xf32> to vector<1x16xf32>
        tpu.vector_store %arg11[%swap3A_291, %swap3A_292], %swap3A_295 {strides = array<i32>} : memref<80x64xf32, #tpu.memory_space<vmem>>, vector<1x16xf32>,
        %mul3A_296 = arith.constant 16 : i32
        %mul3A_297 = arith.muli %scan3A_59, %mul3A_296 : i32
        %add3A_298 = arith.constant 5 : i32
        %add3A_299 = arith.addi %mul3A_297, %add3A_298 : i32
        %slice3A_300 = vector.extract_strided_slice %get3A_64 {offsets = [5], sizes = [1], strides = [1]} : vector<16xf32> to vector<1xf32>
        %squeeze3A_301 = vector.extract %slice3A_300[0] : f32 from vector<1xf32>
        %broadcast_in_dim3A_302 = vector.broadcast %squeeze3A_301 : f32 to vector<16xf32>
        %get3A_303 = arith.index_cast %add3A_299 : i32 to index
        %get3A_304 = arith.constant 0 : index
        %get3A_305 = tpu.vector_load %arg11[%get3A_303, %get3A_304] {strides = array<i32>} : memref<80x64xf32, #tpu.memory_space<vmem>>, vector<1x16xf32>,
        %get3A_306 = vector.shape_cast %get3A_305 : vector<1x16xf32> to vector<16xf32>
        %mul3A_307 = arith.mulf %get3A_306, %broadcast_in_dim3A_302 : vector<16xf32>
        %swap3A_308 = arith.index_cast %add3A_299 : i32 to index
        %swap3A_309 = arith.constant 0 : index
        %swap3A_310 = tpu.vector_load %arg11[%swap3A_308, %swap3A_309] {strides = array<i32>} : memref<80x64xf32, #tpu.memory_space<vmem>>, vector<1x16xf32>,
        %swap3A_311 = vector.shape_cast %swap3A_310 : vector<1x16xf32> to vector<16xf32>
        %swap3A_312 = vector.shape_cast %mul3A_307 : vector<16xf32> to vector<1x16xf32>
        tpu.vector_store %arg11[%swap3A_308, %swap3A_309], %swap3A_312 {strides = array<i32>} : memref<80x64xf32, #tpu.memory_space<vmem>>, vector<1x16xf32>,
        %get3A_313 = arith.index_cast %add3A_299 : i32 to index
        %get3A_314 = arith.constant 16 : index
        %get3A_315 = tpu.vector_load %arg11[%get3A_313, %get3A_314] {strides = array<i32>} : memref<80x64xf32, #tpu.memory_space<vmem>>, vector<1x16xf32>,
        %get3A_316 = vector.shape_cast %get3A_315 : vector<1x16xf32> to vector<16xf32>
        %mul3A_317 = arith.mulf %get3A_316, %broadcast_in_dim3A_302 : vector<16xf32>
        %swap3A_318 = arith.index_cast %add3A_299 : i32 to index
        %swap3A_319 = arith.constant 16 : index
        %swap3A_320 = tpu.vector_load %arg11[%swap3A_318, %swap3A_319] {strides = array<i32>} : memref<80x64xf32, #tpu.memory_space<vmem>>, vector<1x16xf32>,
        %swap3A_321 = vector.shape_cast %swap3A_320 : vector<1x16xf32> to vector<16xf32>
        %swap3A_322 = vector.shape_cast %mul3A_317 : vector<16xf32> to vector<1x16xf32>
        tpu.vector_store %arg11[%swap3A_318, %swap3A_319], %swap3A_322 {strides = array<i32>} : memref<80x64xf32, #tpu.memory_space<vmem>>, vector<1x16xf32>,
        %get3A_323 = arith.index_cast %add3A_299 : i32 to index
        %get3A_324 = arith.constant 32 : index
        %get3A_325 = tpu.vector_load %arg11[%get3A_323, %get3A_324] {strides = array<i32>} : memref<80x64xf32, #tpu.memory_space<vmem>>, vector<1x16xf32>,
        %get3A_326 = vector.shape_cast %get3A_325 : vector<1x16xf32> to vector<16xf32>
        %mul3A_327 = arith.mulf %get3A_326, %broadcast_in_dim3A_302 : vector<16xf32>
        %swap3A_328 = arith.index_cast %add3A_299 : i32 to index
        %swap3A_329 = arith.constant 32 : index
        %swap3A_330 = tpu.vector_load %arg11[%swap3A_328, %swap3A_329] {strides = array<i32>} : memref<80x64xf32, #tpu.memory_space<vmem>>, vector<1x16xf32>,
        %swap3A_331 = vector.shape_cast %swap3A_330 : vector<1x16xf32> to vector<16xf32>
        %swap3A_332 = vector.shape_cast %mul3A_327 : vector<16xf32> to vector<1x16xf32>
        tpu.vector_store %arg11[%swap3A_328, %swap3A_329], %swap3A_332 {strides = array<i32>} : memref<80x64xf32, #tpu.memory_space<vmem>>, vector<1x16xf32>,
        %get3A_333 = arith.index_cast %add3A_299 : i32 to index
        %get3A_334 = arith.constant 48 : index
        %get3A_335 = tpu.vector_load %arg11[%get3A_333, %get3A_334] {strides = array<i32>} : memref<80x64xf32, #tpu.memory_space<vmem>>, vector<1x16xf32>,
        %get3A_336 = vector.shape_cast %get3A_335 : vector<1x16xf32> to vector<16xf32>
        %mul3A_337 = arith.mulf %get3A_336, %broadcast_in_dim3A_302 : vector<16xf32>
        %swap3A_338 = arith.index_cast %add3A_299 : i32 to index
        %swap3A_339 = arith.constant 48 : index
        %swap3A_340 = tpu.vector_load %arg11[%swap3A_338, %swap3A_339] {strides = array<i32>} : memref<80x64xf32, #tpu.memory_space<vmem>>, vector<1x16xf32>,
        %swap3A_341 = vector.shape_cast %swap3A_340 : vector<1x16xf32> to vector<16xf32>
        %swap3A_342 = vector.shape_cast %mul3A_337 : vector<16xf32> to vector<1x16xf32>
        tpu.vector_store %arg11[%swap3A_338, %swap3A_339], %swap3A_342 {strides = array<i32>} : memref<80x64xf32, #tpu.memory_space<vmem>>, vector<1x16xf32>,
        %mul3A_343 = arith.constant 16 : i32
        %mul3A_344 = arith.muli %scan3A_59, %mul3A_343 : i32
        %add3A_345 = arith.constant 6 : i32
        %add3A_346 = arith.addi %mul3A_344, %add3A_345 : i32
        %slice3A_347 = vector.extract_strided_slice %get3A_64 {offsets = [6], sizes = [1], strides = [1]} : vector<16xf32> to vector<1xf32>
        %squeeze3A_348 = vector.extract %slice3A_347[0] : f32 from vector<1xf32>
        %broadcast_in_dim3A_349 = vector.broadcast %squeeze3A_348 : f32 to vector<16xf32>
        %get3A_350 = arith.index_cast %add3A_346 : i32 to index
        %get3A_351 = arith.constant 0 : index
        %get3A_352 = tpu.vector_load %arg11[%get3A_350, %get3A_351] {strides = array<i32>} : memref<80x64xf32, #tpu.memory_space<vmem>>, vector<1x16xf32>,
        %get3A_353 = vector.shape_cast %get3A_352 : vector<1x16xf32> to vector<16xf32>
        %mul3A_354 = arith.mulf %get3A_353, %broadcast_in_dim3A_349 : vector<16xf32>
        %swap3A_355 = arith.index_cast %add3A_346 : i32 to index
        %swap3A_356 = arith.constant 0 : index
        %swap3A_357 = tpu.vector_load %arg11[%swap3A_355, %swap3A_356] {strides = array<i32>} : memref<80x64xf32, #tpu.memory_space<vmem>>, vector<1x16xf32>,
        %swap3A_358 = vector.shape_cast %swap3A_357 : vector<1x16xf32> to vector<16xf32>
        %swap3A_359 = vector.shape_cast %mul3A_354 : vector<16xf32> to vector<1x16xf32>
        tpu.vector_store %arg11[%swap3A_355, %swap3A_356], %swap3A_359 {strides = array<i32>} : memref<80x64xf32, #tpu.memory_space<vmem>>, vector<1x16xf32>,
        %get3A_360 = arith.index_cast %add3A_346 : i32 to index
        %get3A_361 = arith.constant 16 : index
        %get3A_362 = tpu.vector_load %arg11[%get3A_360, %get3A_361] {strides = array<i32>} : memref<80x64xf32, #tpu.memory_space<vmem>>, vector<1x16xf32>,
        %get3A_363 = vector.shape_cast %get3A_362 : vector<1x16xf32> to vector<16xf32>
        %mul3A_364 = arith.mulf %get3A_363, %broadcast_in_dim3A_349 : vector<16xf32>
        %swap3A_365 = arith.index_cast %add3A_346 : i32 to index
        %swap3A_366 = arith.constant 16 : index
        %swap3A_367 = tpu.vector_load %arg11[%swap3A_365, %swap3A_366] {strides = array<i32>} : memref<80x64xf32, #tpu.memory_space<vmem>>, vector<1x16xf32>,
        %swap3A_368 = vector.shape_cast %swap3A_367 : vector<1x16xf32> to vector<16xf32>
        %swap3A_369 = vector.shape_cast %mul3A_364 : vector<16xf32> to vector<1x16xf32>
        tpu.vector_store %arg11[%swap3A_365, %swap3A_366], %swap3A_369 {strides = array<i32>} : memref<80x64xf32, #tpu.memory_space<vmem>>, vector<1x16xf32>,
        %get3A_370 = arith.index_cast %add3A_346 : i32 to index
        %get3A_371 = arith.constant 32 : index
        %get3A_372 = tpu.vector_load %arg11[%get3A_370, %get3A_371] {strides = array<i32>} : memref<80x64xf32, #tpu.memory_space<vmem>>, vector<1x16xf32>,
        %get3A_373 = vector.shape_cast %get3A_372 : vector<1x16xf32> to vector<16xf32>
        %mul3A_374 = arith.mulf %get3A_373, %broadcast_in_dim3A_349 : vector<16xf32>
        %swap3A_375 = arith.index_cast %add3A_346 : i32 to index
        %swap3A_376 = arith.constant 32 : index
        %swap3A_377 = tpu.vector_load %arg11[%swap3A_375, %swap3A_376] {strides = array<i32>} : memref<80x64xf32, #tpu.memory_space<vmem>>, vector<1x16xf32>,
        %swap3A_378 = vector.shape_cast %swap3A_377 : vector<1x16xf32> to vector<16xf32>
        %swap3A_379 = vector.shape_cast %mul3A_374 : vector<16xf32> to vector<1x16xf32>
        tpu.vector_store %arg11[%swap3A_375, %swap3A_376], %swap3A_379 {strides = array<i32>} : memref<80x64xf32, #tpu.memory_space<vmem>>, vector<1x16xf32>,
        %get3A_380 = arith.index_cast %add3A_346 : i32 to index
        %get3A_381 = arith.constant 48 : index
        %get3A_382 = tpu.vector_load %arg11[%get3A_380, %get3A_381] {strides = array<i32>} : memref<80x64xf32, #tpu.memory_space<vmem>>, vector<1x16xf32>,
        %get3A_383 = vector.shape_cast %get3A_382 : vector<1x16xf32> to vector<16xf32>
        %mul3A_384 = arith.mulf %get3A_383, %broadcast_in_dim3A_349 : vector<16xf32>
        %swap3A_385 = arith.index_cast %add3A_346 : i32 to index
        %swap3A_386 = arith.constant 48 : index
        %swap3A_387 = tpu.vector_load %arg11[%swap3A_385, %swap3A_386] {strides = array<i32>} : memref<80x64xf32, #tpu.memory_space<vmem>>, vector<1x16xf32>,
        %swap3A_388 = vector.shape_cast %swap3A_387 : vector<1x16xf32> to vector<16xf32>
        %swap3A_389 = vector.shape_cast %mul3A_384 : vector<16xf32> to vector<1x16xf32>
        tpu.vector_store %arg11[%swap3A_385, %swap3A_386], %swap3A_389 {strides = array<i32>} : memref<80x64xf32, #tpu.memory_space<vmem>>, vector<1x16xf32>,
        %mul3A_390 = arith.constant 16 : i32
        %mul3A_391 = arith.muli %scan3A_59, %mul3A_390 : i32
        %add3A_392 = arith.constant 7 : i32
        %add3A_393 = arith.addi %mul3A_391, %add3A_392 : i32
        %slice3A_394 = vector.extract_strided_slice %get3A_64 {offsets = [7], sizes = [1], strides = [1]} : vector<16xf32> to vector<1xf32>
        %squeeze3A_395 = vector.extract %slice3A_394[0] : f32 from vector<1xf32>
        %broadcast_in_dim3A_396 = vector.broadcast %squeeze3A_395 : f32 to vector<16xf32>
        %get3A_397 = arith.index_cast %add3A_393 : i32 to index
        %get3A_398 = arith.constant 0 : index
        %get3A_399 = tpu.vector_load %arg11[%get3A_397, %get3A_398] {strides = array<i32>} : memref<80x64xf32, #tpu.memory_space<vmem>>, vector<1x16xf32>,
        %get3A_400 = vector.shape_cast %get3A_399 : vector<1x16xf32> to vector<16xf32>
        %mul3A_401 = arith.mulf %get3A_400, %broadcast_in_dim3A_396 : vector<16xf32>
        %swap3A_402 = arith.index_cast %add3A_393 : i32 to index
        %swap3A_403 = arith.constant 0 : index
        %swap3A_404 = tpu.vector_load %arg11[%swap3A_402, %swap3A_403] {strides = array<i32>} : memref<80x64xf32, #tpu.memory_space<vmem>>, vector<1x16xf32>,
        %swap3A_405 = vector.shape_cast %swap3A_404 : vector<1x16xf32> to vector<16xf32>
        %swap3A_406 = vector.shape_cast %mul3A_401 : vector<16xf32> to vector<1x16xf32>
        tpu.vector_store %arg11[%swap3A_402, %swap3A_403], %swap3A_406 {strides = array<i32>} : memref<80x64xf32, #tpu.memory_space<vmem>>, vector<1x16xf32>,
        %get3A_407 = arith.index_cast %add3A_393 : i32 to index
        %get3A_408 = arith.constant 16 : index
        %get3A_409 = tpu.vector_load %arg11[%get3A_407, %get3A_408] {strides = array<i32>} : memref<80x64xf32, #tpu.memory_space<vmem>>, vector<1x16xf32>,
        %get3A_410 = vector.shape_cast %get3A_409 : vector<1x16xf32> to vector<16xf32>
        %mul3A_411 = arith.mulf %get3A_410, %broadcast_in_dim3A_396 : vector<16xf32>
        %swap3A_412 = arith.index_cast %add3A_393 : i32 to index
        %swap3A_413 = arith.constant 16 : index
        %swap3A_414 = tpu.vector_load %arg11[%swap3A_412, %swap3A_413] {strides = array<i32>} : memref<80x64xf32, #tpu.memory_space<vmem>>, vector<1x16xf32>,
        %swap3A_415 = vector.shape_cast %swap3A_414 : vector<1x16xf32> to vector<16xf32>
        %swap3A_416 = vector.shape_cast %mul3A_411 : vector<16xf32> to vector<1x16xf32>
        tpu.vector_store %arg11[%swap3A_412, %swap3A_413], %swap3A_416 {strides = array<i32>} : memref<80x64xf32, #tpu.memory_space<vmem>>, vector<1x16xf32>,
        %get3A_417 = arith.index_cast %add3A_393 : i32 to index
        %get3A_418 = arith.constant 32 : index
        %get3A_419 = tpu.vector_load %arg11[%get3A_417, %get3A_418] {strides = array<i32>} : memref<80x64xf32, #tpu.memory_space<vmem>>, vector<1x16xf32>,
        %get3A_420 = vector.shape_cast %get3A_419 : vector<1x16xf32> to vector<16xf32>
        %mul3A_421 = arith.mulf %get3A_420, %broadcast_in_dim3A_396 : vector<16xf32>
        %swap3A_422 = arith.index_cast %add3A_393 : i32 to index
        %swap3A_423 = arith.constant 32 : index
        %swap3A_424 = tpu.vector_load %arg11[%swap3A_422, %swap3A_423] {strides = array<i32>} : memref<80x64xf32, #tpu.memory_space<vmem>>, vector<1x16xf32>,
        %swap3A_425 = vector.shape_cast %swap3A_424 : vector<1x16xf32> to vector<16xf32>
        %swap3A_426 = vector.shape_cast %mul3A_421 : vector<16xf32> to vector<1x16xf32>
        tpu.vector_store %arg11[%swap3A_422, %swap3A_423], %swap3A_426 {strides = array<i32>} : memref<80x64xf32, #tpu.memory_space<vmem>>, vector<1x16xf32>,
        %get3A_427 = arith.index_cast %add3A_393 : i32 to index
        %get3A_428 = arith.constant 48 : index
        %get3A_429 = tpu.vector_load %arg11[%get3A_427, %get3A_428] {strides = array<i32>} : memref<80x64xf32, #tpu.memory_space<vmem>>, vector<1x16xf32>,
        %get3A_430 = vector.shape_cast %get3A_429 : vector<1x16xf32> to vector<16xf32>
        %mul3A_431 = arith.mulf %get3A_430, %broadcast_in_dim3A_396 : vector<16xf32>
        %swap3A_432 = arith.index_cast %add3A_393 : i32 to index
        %swap3A_433 = arith.constant 48 : index
        %swap3A_434 = tpu.vector_load %arg11[%swap3A_432, %swap3A_433] {strides = array<i32>} : memref<80x64xf32, #tpu.memory_space<vmem>>, vector<1x16xf32>,
        %swap3A_435 = vector.shape_cast %swap3A_434 : vector<1x16xf32> to vector<16xf32>
        %swap3A_436 = vector.shape_cast %mul3A_431 : vector<16xf32> to vector<1x16xf32>
        tpu.vector_store %arg11[%swap3A_432, %swap3A_433], %swap3A_436 {strides = array<i32>} : memref<80x64xf32, #tpu.memory_space<vmem>>, vector<1x16xf32>,
        %mul3A_437 = arith.constant 16 : i32
        %mul3A_438 = arith.muli %scan3A_59, %mul3A_437 : i32
        %add3A_439 = arith.constant 8 : i32
        %add3A_440 = arith.addi %mul3A_438, %add3A_439 : i32
        %slice3A_441 = vector.extract_strided_slice %get3A_64 {offsets = [8], sizes = [1], strides = [1]} : vector<16xf32> to vector<1xf32>
        %squeeze3A_442 = vector.extract %slice3A_441[0] : f32 from vector<1xf32>
        %broadcast_in_dim3A_443 = vector.broadcast %squeeze3A_442 : f32 to vector<16xf32>
        %get3A_444 = arith.index_cast %add3A_440 : i32 to index
        %get3A_445 = arith.constant 0 : index
        %get3A_446 = tpu.vector_load %arg11[%get3A_444, %get3A_445] {strides = array<i32>} : memref<80x64xf32, #tpu.memory_space<vmem>>, vector<1x16xf32>,
        %get3A_447 = vector.shape_cast %get3A_446 : vector<1x16xf32> to vector<16xf32>
        %mul3A_448 = arith.mulf %get3A_447, %broadcast_in_dim3A_443 : vector<16xf32>
        %swap3A_449 = arith.index_cast %add3A_440 : i32 to index
        %swap3A_450 = arith.constant 0 : index
        %swap3A_451 = tpu.vector_load %arg11[%swap3A_449, %swap3A_450] {strides = array<i32>} : memref<80x64xf32, #tpu.memory_space<vmem>>, vector<1x16xf32>,
        %swap3A_452 = vector.shape_cast %swap3A_451 : vector<1x16xf32> to vector<16xf32>
        %swap3A_453 = vector.shape_cast %mul3A_448 : vector<16xf32> to vector<1x16xf32>
        tpu.vector_store %arg11[%swap3A_449, %swap3A_450], %swap3A_453 {strides = array<i32>} : memref<80x64xf32, #tpu.memory_space<vmem>>, vector<1x16xf32>,
        %get3A_454 = arith.index_cast %add3A_440 : i32 to index
        %get3A_455 = arith.constant 16 : index
        %get3A_456 = tpu.vector_load %arg11[%get3A_454, %get3A_455] {strides = array<i32>} : memref<80x64xf32, #tpu.memory_space<vmem>>, vector<1x16xf32>,
        %get3A_457 = vector.shape_cast %get3A_456 : vector<1x16xf32> to vector<16xf32>
        %mul3A_458 = arith.mulf %get3A_457, %broadcast_in_dim3A_443 : vector<16xf32>
        %swap3A_459 = arith.index_cast %add3A_440 : i32 to index
        %swap3A_460 = arith.constant 16 : index
        %swap3A_461 = tpu.vector_load %arg11[%swap3A_459, %swap3A_460] {strides = array<i32>} : memref<80x64xf32, #tpu.memory_space<vmem>>, vector<1x16xf32>,
        %swap3A_462 = vector.shape_cast %swap3A_461 : vector<1x16xf32> to vector<16xf32>
        %swap3A_463 = vector.shape_cast %mul3A_458 : vector<16xf32> to vector<1x16xf32>
        tpu.vector_store %arg11[%swap3A_459, %swap3A_460], %swap3A_463 {strides = array<i32>} : memref<80x64xf32, #tpu.memory_space<vmem>>, vector<1x16xf32>,
        %get3A_464 = arith.index_cast %add3A_440 : i32 to index
        %get3A_465 = arith.constant 32 : index
        %get3A_466 = tpu.vector_load %arg11[%get3A_464, %get3A_465] {strides = array<i32>} : memref<80x64xf32, #tpu.memory_space<vmem>>, vector<1x16xf32>,
        %get3A_467 = vector.shape_cast %get3A_466 : vector<1x16xf32> to vector<16xf32>
        %mul3A_468 = arith.mulf %get3A_467, %broadcast_in_dim3A_443 : vector<16xf32>
        %swap3A_469 = arith.index_cast %add3A_440 : i32 to index
        %swap3A_470 = arith.constant 32 : index
        %swap3A_471 = tpu.vector_load %arg11[%swap3A_469, %swap3A_470] {strides = array<i32>} : memref<80x64xf32, #tpu.memory_space<vmem>>, vector<1x16xf32>,
        %swap3A_472 = vector.shape_cast %swap3A_471 : vector<1x16xf32> to vector<16xf32>
        %swap3A_473 = vector.shape_cast %mul3A_468 : vector<16xf32> to vector<1x16xf32>
        tpu.vector_store %arg11[%swap3A_469, %swap3A_470], %swap3A_473 {strides = array<i32>} : memref<80x64xf32, #tpu.memory_space<vmem>>, vector<1x16xf32>,
        %get3A_474 = arith.index_cast %add3A_440 : i32 to index
        %get3A_475 = arith.constant 48 : index
        %get3A_476 = tpu.vector_load %arg11[%get3A_474, %get3A_475] {strides = array<i32>} : memref<80x64xf32, #tpu.memory_space<vmem>>, vector<1x16xf32>,
        %get3A_477 = vector.shape_cast %get3A_476 : vector<1x16xf32> to vector<16xf32>
        %mul3A_478 = arith.mulf %get3A_477, %broadcast_in_dim3A_443 : vector<16xf32>
        %swap3A_479 = arith.index_cast %add3A_440 : i32 to index
        %swap3A_480 = arith.constant 48 : index
        %swap3A_481 = tpu.vector_load %arg11[%swap3A_479, %swap3A_480] {strides = array<i32>} : memref<80x64xf32, #tpu.memory_space<vmem>>, vector<1x16xf32>,
        %swap3A_482 = vector.shape_cast %swap3A_481 : vector<1x16xf32> to vector<16xf32>
        %swap3A_483 = vector.shape_cast %mul3A_478 : vector<16xf32> to vector<1x16xf32>
        tpu.vector_store %arg11[%swap3A_479, %swap3A_480], %swap3A_483 {strides = array<i32>} : memref<80x64xf32, #tpu.memory_space<vmem>>, vector<1x16xf32>,
        %mul3A_484 = arith.constant 16 : i32
        %mul3A_485 = arith.muli %scan3A_59, %mul3A_484 : i32
        %add3A_486 = arith.constant 9 : i32
        %add3A_487 = arith.addi %mul3A_485, %add3A_486 : i32
        %slice3A_488 = vector.extract_strided_slice %get3A_64 {offsets = [9], sizes = [1], strides = [1]} : vector<16xf32> to vector<1xf32>
        %squeeze3A_489 = vector.extract %slice3A_488[0] : f32 from vector<1xf32>
        %broadcast_in_dim3A_490 = vector.broadcast %squeeze3A_489 : f32 to vector<16xf32>
        %get3A_491 = arith.index_cast %add3A_487 : i32 to index
        %get3A_492 = arith.constant 0 : index
        %get3A_493 = tpu.vector_load %arg11[%get3A_491, %get3A_492] {strides = array<i32>} : memref<80x64xf32, #tpu.memory_space<vmem>>, vector<1x16xf32>,
        %get3A_494 = vector.shape_cast %get3A_493 : vector<1x16xf32> to vector<16xf32>
        %mul3A_495 = arith.mulf %get3A_494, %broadcast_in_dim3A_490 : vector<16xf32>
        %swap3A_496 = arith.index_cast %add3A_487 : i32 to index
        %swap3A_497 = arith.constant 0 : index
        %swap3A_498 = tpu.vector_load %arg11[%swap3A_496, %swap3A_497] {strides = array<i32>} : memref<80x64xf32, #tpu.memory_space<vmem>>, vector<1x16xf32>,
        %swap3A_499 = vector.shape_cast %swap3A_498 : vector<1x16xf32> to vector<16xf32>
        %swap3A_500 = vector.shape_cast %mul3A_495 : vector<16xf32> to vector<1x16xf32>
        tpu.vector_store %arg11[%swap3A_496, %swap3A_497], %swap3A_500 {strides = array<i32>} : memref<80x64xf32, #tpu.memory_space<vmem>>, vector<1x16xf32>,
        %get3A_501 = arith.index_cast %add3A_487 : i32 to index
        %get3A_502 = arith.constant 16 : index
        %get3A_503 = tpu.vector_load %arg11[%get3A_501, %get3A_502] {strides = array<i32>} : memref<80x64xf32, #tpu.memory_space<vmem>>, vector<1x16xf32>,
        %get3A_504 = vector.shape_cast %get3A_503 : vector<1x16xf32> to vector<16xf32>
        %mul3A_505 = arith.mulf %get3A_504, %broadcast_in_dim3A_490 : vector<16xf32>
        %swap3A_506 = arith.index_cast %add3A_487 : i32 to index
        %swap3A_507 = arith.constant 16 : index
        %swap3A_508 = tpu.vector_load %arg11[%swap3A_506, %swap3A_507] {strides = array<i32>} : memref<80x64xf32, #tpu.memory_space<vmem>>, vector<1x16xf32>,
        %swap3A_509 = vector.shape_cast %swap3A_508 : vector<1x16xf32> to vector<16xf32>
        %swap3A_510 = vector.shape_cast %mul3A_505 : vector<16xf32> to vector<1x16xf32>
        tpu.vector_store %arg11[%swap3A_506, %swap3A_507], %swap3A_510 {strides = array<i32>} : memref<80x64xf32, #tpu.memory_space<vmem>>, vector<1x16xf32>,
        %get3A_511 = arith.index_cast %add3A_487 : i32 to index
        %get3A_512 = arith.constant 32 : index
        %get3A_513 = tpu.vector_load %arg11[%get3A_511, %get3A_512] {strides = array<i32>} : memref<80x64xf32, #tpu.memory_space<vmem>>, vector<1x16xf32>,
        %get3A_514 = vector.shape_cast %get3A_513 : vector<1x16xf32> to vector<16xf32>
        %mul3A_515 = arith.mulf %get3A_514, %broadcast_in_dim3A_490 : vector<16xf32>
        %swap3A_516 = arith.index_cast %add3A_487 : i32 to index
        %swap3A_517 = arith.constant 32 : index
        %swap3A_518 = tpu.vector_load %arg11[%swap3A_516, %swap3A_517] {strides = array<i32>} : memref<80x64xf32, #tpu.memory_space<vmem>>, vector<1x16xf32>,
        %swap3A_519 = vector.shape_cast %swap3A_518 : vector<1x16xf32> to vector<16xf32>
        %swap3A_520 = vector.shape_cast %mul3A_515 : vector<16xf32> to vector<1x16xf32>
        tpu.vector_store %arg11[%swap3A_516, %swap3A_517], %swap3A_520 {strides = array<i32>} : memref<80x64xf32, #tpu.memory_space<vmem>>, vector<1x16xf32>,
        %get3A_521 = arith.index_cast %add3A_487 : i32 to index
        %get3A_522 = arith.constant 48 : index
        %get3A_523 = tpu.vector_load %arg11[%get3A_521, %get3A_522] {strides = array<i32>} : memref<80x64xf32, #tpu.memory_space<vmem>>, vector<1x16xf32>,
        %get3A_524 = vector.shape_cast %get3A_523 : vector<1x16xf32> to vector<16xf32>
        %mul3A_525 = arith.mulf %get3A_524, %broadcast_in_dim3A_490 : vector<16xf32>
        %swap3A_526 = arith.index_cast %add3A_487 : i32 to index
        %swap3A_527 = arith.constant 48 : index
        %swap3A_528 = tpu.vector_load %arg11[%swap3A_526, %swap3A_527] {strides = array<i32>} : memref<80x64xf32, #tpu.memory_space<vmem>>, vector<1x16xf32>,
        %swap3A_529 = vector.shape_cast %swap3A_528 : vector<1x16xf32> to vector<16xf32>
        %swap3A_530 = vector.shape_cast %mul3A_525 : vector<16xf32> to vector<1x16xf32>
        tpu.vector_store %arg11[%swap3A_526, %swap3A_527], %swap3A_530 {strides = array<i32>} : memref<80x64xf32, #tpu.memory_space<vmem>>, vector<1x16xf32>,
        %mul3A_531 = arith.constant 16 : i32
        %mul3A_532 = arith.muli %scan3A_59, %mul3A_531 : i32
        %add3A_533 = arith.constant 10 : i32
        %add3A_534 = arith.addi %mul3A_532, %add3A_533 : i32
        %slice3A_535 = vector.extract_strided_slice %get3A_64 {offsets = [10], sizes = [1], strides = [1]} : vector<16xf32> to vector<1xf32>
        %squeeze3A_536 = vector.extract %slice3A_535[0] : f32 from vector<1xf32>
        %broadcast_in_dim3A_537 = vector.broadcast %squeeze3A_536 : f32 to vector<16xf32>
        %get3A_538 = arith.index_cast %add3A_534 : i32 to index
        %get3A_539 = arith.constant 0 : index
        %get3A_540 = tpu.vector_load %arg11[%get3A_538, %get3A_539] {strides = array<i32>} : memref<80x64xf32, #tpu.memory_space<vmem>>, vector<1x16xf32>,
        %get3A_541 = vector.shape_cast %get3A_540 : vector<1x16xf32> to vector<16xf32>
        %mul3A_542 = arith.mulf %get3A_541, %broadcast_in_dim3A_537 : vector<16xf32>
        %swap3A_543 = arith.index_cast %add3A_534 : i32 to index
        %swap3A_544 = arith.constant 0 : index
        %swap3A_545 = tpu.vector_load %arg11[%swap3A_543, %swap3A_544] {strides = array<i32>} : memref<80x64xf32, #tpu.memory_space<vmem>>, vector<1x16xf32>,
        %swap3A_546 = vector.shape_cast %swap3A_545 : vector<1x16xf32> to vector<16xf32>
        %swap3A_547 = vector.shape_cast %mul3A_542 : vector<16xf32> to vector<1x16xf32>
        tpu.vector_store %arg11[%swap3A_543, %swap3A_544], %swap3A_547 {strides = array<i32>} : memref<80x64xf32, #tpu.memory_space<vmem>>, vector<1x16xf32>,
        %get3A_548 = arith.index_cast %add3A_534 : i32 to index
        %get3A_549 = arith.constant 16 : index
        %get3A_550 = tpu.vector_load %arg11[%get3A_548, %get3A_549] {strides = array<i32>} : memref<80x64xf32, #tpu.memory_space<vmem>>, vector<1x16xf32>,
        %get3A_551 = vector.shape_cast %get3A_550 : vector<1x16xf32> to vector<16xf32>
        %mul3A_552 = arith.mulf %get3A_551, %broadcast_in_dim3A_537 : vector<16xf32>
        %swap3A_553 = arith.index_cast %add3A_534 : i32 to index
        %swap3A_554 = arith.constant 16 : index
        %swap3A_555 = tpu.vector_load %arg11[%swap3A_553, %swap3A_554] {strides = array<i32>} : memref<80x64xf32, #tpu.memory_space<vmem>>, vector<1x16xf32>,
        %swap3A_556 = vector.shape_cast %swap3A_555 : vector<1x16xf32> to vector<16xf32>
        %swap3A_557 = vector.shape_cast %mul3A_552 : vector<16xf32> to vector<1x16xf32>
        tpu.vector_store %arg11[%swap3A_553, %swap3A_554], %swap3A_557 {strides = array<i32>} : memref<80x64xf32, #tpu.memory_space<vmem>>, vector<1x16xf32>,
        %get3A_558 = arith.index_cast %add3A_534 : i32 to index
        %get3A_559 = arith.constant 32 : index
        %get3A_560 = tpu.vector_load %arg11[%get3A_558, %get3A_559] {strides = array<i32>} : memref<80x64xf32, #tpu.memory_space<vmem>>, vector<1x16xf32>,
        %get3A_561 = vector.shape_cast %get3A_560 : vector<1x16xf32> to vector<16xf32>
        %mul3A_562 = arith.mulf %get3A_561, %broadcast_in_dim3A_537 : vector<16xf32>
        %swap3A_563 = arith.index_cast %add3A_534 : i32 to index
        %swap3A_564 = arith.constant 32 : index
        %swap3A_565 = tpu.vector_load %arg11[%swap3A_563, %swap3A_564] {strides = array<i32>} : memref<80x64xf32, #tpu.memory_space<vmem>>, vector<1x16xf32>,
        %swap3A_566 = vector.shape_cast %swap3A_565 : vector<1x16xf32> to vector<16xf32>
        %swap3A_567 = vector.shape_cast %mul3A_562 : vector<16xf32> to vector<1x16xf32>
        tpu.vector_store %arg11[%swap3A_563, %swap3A_564], %swap3A_567 {strides = array<i32>} : memref<80x64xf32, #tpu.memory_space<vmem>>, vector<1x16xf32>,
        %get3A_568 = arith.index_cast %add3A_534 : i32 to index
        %get3A_569 = arith.constant 48 : index
        %get3A_570 = tpu.vector_load %arg11[%get3A_568, %get3A_569] {strides = array<i32>} : memref<80x64xf32, #tpu.memory_space<vmem>>, vector<1x16xf32>,
        %get3A_571 = vector.shape_cast %get3A_570 : vector<1x16xf32> to vector<16xf32>
        %mul3A_572 = arith.mulf %get3A_571, %broadcast_in_dim3A_537 : vector<16xf32>
        %swap3A_573 = arith.index_cast %add3A_534 : i32 to index
        %swap3A_574 = arith.constant 48 : index
        %swap3A_575 = tpu.vector_load %arg11[%swap3A_573, %swap3A_574] {strides = array<i32>} : memref<80x64xf32, #tpu.memory_space<vmem>>, vector<1x16xf32>,
        %swap3A_576 = vector.shape_cast %swap3A_575 : vector<1x16xf32> to vector<16xf32>
        %swap3A_577 = vector.shape_cast %mul3A_572 : vector<16xf32> to vector<1x16xf32>
        tpu.vector_store %arg11[%swap3A_573, %swap3A_574], %swap3A_577 {strides = array<i32>} : memref<80x64xf32, #tpu.memory_space<vmem>>, vector<1x16xf32>,
        %mul3A_578 = arith.constant 16 : i32
        %mul3A_579 = arith.muli %scan3A_59, %mul3A_578 : i32
        %add3A_580 = arith.constant 11 : i32
        %add3A_581 = arith.addi %mul3A_579, %add3A_580 : i32
        %slice3A_582 = vector.extract_strided_slice %get3A_64 {offsets = [11], sizes = [1], strides = [1]} : vector<16xf32> to vector<1xf32>
        %squeeze3A_583 = vector.extract %slice3A_582[0] : f32 from vector<1xf32>
        %broadcast_in_dim3A_584 = vector.broadcast %squeeze3A_583 : f32 to vector<16xf32>
        %get3A_585 = arith.index_cast %add3A_581 : i32 to index
        %get3A_586 = arith.constant 0 : index
        %get3A_587 = tpu.vector_load %arg11[%get3A_585, %get3A_586] {strides = array<i32>} : memref<80x64xf32, #tpu.memory_space<vmem>>, vector<1x16xf32>,
        %get3A_588 = vector.shape_cast %get3A_587 : vector<1x16xf32> to vector<16xf32>
        %mul3A_589 = arith.mulf %get3A_588, %broadcast_in_dim3A_584 : vector<16xf32>
        %swap3A_590 = arith.index_cast %add3A_581 : i32 to index
        %swap3A_591 = arith.constant 0 : index
        %swap3A_592 = tpu.vector_load %arg11[%swap3A_590, %swap3A_591] {strides = array<i32>} : memref<80x64xf32, #tpu.memory_space<vmem>>, vector<1x16xf32>,
        %swap3A_593 = vector.shape_cast %swap3A_592 : vector<1x16xf32> to vector<16xf32>
        %swap3A_594 = vector.shape_cast %mul3A_589 : vector<16xf32> to vector<1x16xf32>
        tpu.vector_store %arg11[%swap3A_590, %swap3A_591], %swap3A_594 {strides = array<i32>} : memref<80x64xf32, #tpu.memory_space<vmem>>, vector<1x16xf32>,
        %get3A_595 = arith.index_cast %add3A_581 : i32 to index
        %get3A_596 = arith.constant 16 : index
        %get3A_597 = tpu.vector_load %arg11[%get3A_595, %get3A_596] {strides = array<i32>} : memref<80x64xf32, #tpu.memory_space<vmem>>, vector<1x16xf32>,
        %get3A_598 = vector.shape_cast %get3A_597 : vector<1x16xf32> to vector<16xf32>
        %mul3A_599 = arith.mulf %get3A_598, %broadcast_in_dim3A_584 : vector<16xf32>
        %swap3A_600 = arith.index_cast %add3A_581 : i32 to index
        %swap3A_601 = arith.constant 16 : index
        %swap3A_602 = tpu.vector_load %arg11[%swap3A_600, %swap3A_601] {strides = array<i32>} : memref<80x64xf32, #tpu.memory_space<vmem>>, vector<1x16xf32>,
        %swap3A_603 = vector.shape_cast %swap3A_602 : vector<1x16xf32> to vector<16xf32>
        %swap3A_604 = vector.shape_cast %mul3A_599 : vector<16xf32> to vector<1x16xf32>
        tpu.vector_store %arg11[%swap3A_600, %swap3A_601], %swap3A_604 {strides = array<i32>} : memref<80x64xf32, #tpu.memory_space<vmem>>, vector<1x16xf32>,
        %get3A_605 = arith.index_cast %add3A_581 : i32 to index
        %get3A_606 = arith.constant 32 : index
        %get3A_607 = tpu.vector_load %arg11[%get3A_605, %get3A_606] {strides = array<i32>} : memref<80x64xf32, #tpu.memory_space<vmem>>, vector<1x16xf32>,
        %get3A_608 = vector.shape_cast %get3A_607 : vector<1x16xf32> to vector<16xf32>
        %mul3A_609 = arith.mulf %get3A_608, %broadcast_in_dim3A_584 : vector<16xf32>
        %swap3A_610 = arith.index_cast %add3A_581 : i32 to index
        %swap3A_611 = arith.constant 32 : index
        %swap3A_612 = tpu.vector_load %arg11[%swap3A_610, %swap3A_611] {strides = array<i32>} : memref<80x64xf32, #tpu.memory_space<vmem>>, vector<1x16xf32>,
        %swap3A_613 = vector.shape_cast %swap3A_612 : vector<1x16xf32> to vector<16xf32>
        %swap3A_614 = vector.shape_cast %mul3A_609 : vector<16xf32> to vector<1x16xf32>
        tpu.vector_store %arg11[%swap3A_610, %swap3A_611], %swap3A_614 {strides = array<i32>} : memref<80x64xf32, #tpu.memory_space<vmem>>, vector<1x16xf32>,
        %get3A_615 = arith.index_cast %add3A_581 : i32 to index
        %get3A_616 = arith.constant 48 : index
        %get3A_617 = tpu.vector_load %arg11[%get3A_615, %get3A_616] {strides = array<i32>} : memref<80x64xf32, #tpu.memory_space<vmem>>, vector<1x16xf32>,
        %get3A_618 = vector.shape_cast %get3A_617 : vector<1x16xf32> to vector<16xf32>
        %mul3A_619 = arith.mulf %get3A_618, %broadcast_in_dim3A_584 : vector<16xf32>
        %swap3A_620 = arith.index_cast %add3A_581 : i32 to index
        %swap3A_621 = arith.constant 48 : index
        %swap3A_622 = tpu.vector_load %arg11[%swap3A_620, %swap3A_621] {strides = array<i32>} : memref<80x64xf32, #tpu.memory_space<vmem>>, vector<1x16xf32>,
        %swap3A_623 = vector.shape_cast %swap3A_622 : vector<1x16xf32> to vector<16xf32>
        %swap3A_624 = vector.shape_cast %mul3A_619 : vector<16xf32> to vector<1x16xf32>
        tpu.vector_store %arg11[%swap3A_620, %swap3A_621], %swap3A_624 {strides = array<i32>} : memref<80x64xf32, #tpu.memory_space<vmem>>, vector<1x16xf32>,
        %mul3A_625 = arith.constant 16 : i32
        %mul3A_626 = arith.muli %scan3A_59, %mul3A_625 : i32
        %add3A_627 = arith.constant 12 : i32
        %add3A_628 = arith.addi %mul3A_626, %add3A_627 : i32
        %slice3A_629 = vector.extract_strided_slice %get3A_64 {offsets = [12], sizes = [1], strides = [1]} : vector<16xf32> to vector<1xf32>
        %squeeze3A_630 = vector.extract %slice3A_629[0] : f32 from vector<1xf32>
        %broadcast_in_dim3A_631 = vector.broadcast %squeeze3A_630 : f32 to vector<16xf32>
        %get3A_632 = arith.index_cast %add3A_628 : i32 to index
        %get3A_633 = arith.constant 0 : index
        %get3A_634 = tpu.vector_load %arg11[%get3A_632, %get3A_633] {strides = array<i32>} : memref<80x64xf32, #tpu.memory_space<vmem>>, vector<1x16xf32>,
        %get3A_635 = vector.shape_cast %get3A_634 : vector<1x16xf32> to vector<16xf32>
        %mul3A_636 = arith.mulf %get3A_635, %broadcast_in_dim3A_631 : vector<16xf32>
        %swap3A_637 = arith.index_cast %add3A_628 : i32 to index
        %swap3A_638 = arith.constant 0 : index
        %swap3A_639 = tpu.vector_load %arg11[%swap3A_637, %swap3A_638] {strides = array<i32>} : memref<80x64xf32, #tpu.memory_space<vmem>>, vector<1x16xf32>,
        %swap3A_640 = vector.shape_cast %swap3A_639 : vector<1x16xf32> to vector<16xf32>
        %swap3A_641 = vector.shape_cast %mul3A_636 : vector<16xf32> to vector<1x16xf32>
        tpu.vector_store %arg11[%swap3A_637, %swap3A_638], %swap3A_641 {strides = array<i32>} : memref<80x64xf32, #tpu.memory_space<vmem>>, vector<1x16xf32>,
        %get3A_642 = arith.index_cast %add3A_628 : i32 to index
        %get3A_643 = arith.constant 16 : index
        %get3A_644 = tpu.vector_load %arg11[%get3A_642, %get3A_643] {strides = array<i32>} : memref<80x64xf32, #tpu.memory_space<vmem>>, vector<1x16xf32>,
        %get3A_645 = vector.shape_cast %get3A_644 : vector<1x16xf32> to vector<16xf32>
        %mul3A_646 = arith.mulf %get3A_645, %broadcast_in_dim3A_631 : vector<16xf32>
        %swap3A_647 = arith.index_cast %add3A_628 : i32 to index
        %swap3A_648 = arith.constant 16 : index
        %swap3A_649 = tpu.vector_load %arg11[%swap3A_647, %swap3A_648] {strides = array<i32>} : memref<80x64xf32, #tpu.memory_space<vmem>>, vector<1x16xf32>,
        %swap3A_650 = vector.shape_cast %swap3A_649 : vector<1x16xf32> to vector<16xf32>
        %swap3A_651 = vector.shape_cast %mul3A_646 : vector<16xf32> to vector<1x16xf32>
        tpu.vector_store %arg11[%swap3A_647, %swap3A_648], %swap3A_651 {strides = array<i32>} : memref<80x64xf32, #tpu.memory_space<vmem>>, vector<1x16xf32>,
        %get3A_652 = arith.index_cast %add3A_628 : i32 to index
        %get3A_653 = arith.constant 32 : index
        %get3A_654 = tpu.vector_load %arg11[%get3A_652, %get3A_653] {strides = array<i32>} : memref<80x64xf32, #tpu.memory_space<vmem>>, vector<1x16xf32>,
        %get3A_655 = vector.shape_cast %get3A_654 : vector<1x16xf32> to vector<16xf32>
        %mul3A_656 = arith.mulf %get3A_655, %broadcast_in_dim3A_631 : vector<16xf32>
        %swap3A_657 = arith.index_cast %add3A_628 : i32 to index
        %swap3A_658 = arith.constant 32 : index
        %swap3A_659 = tpu.vector_load %arg11[%swap3A_657, %swap3A_658] {strides = array<i32>} : memref<80x64xf32, #tpu.memory_space<vmem>>, vector<1x16xf32>,
        %swap3A_660 = vector.shape_cast %swap3A_659 : vector<1x16xf32> to vector<16xf32>
        %swap3A_661 = vector.shape_cast %mul3A_656 : vector<16xf32> to vector<1x16xf32>
        tpu.vector_store %arg11[%swap3A_657, %swap3A_658], %swap3A_661 {strides = array<i32>} : memref<80x64xf32, #tpu.memory_space<vmem>>, vector<1x16xf32>,
        %get3A_662 = arith.index_cast %add3A_628 : i32 to index
        %get3A_663 = arith.constant 48 : index
        %get3A_664 = tpu.vector_load %arg11[%get3A_662, %get3A_663] {strides = array<i32>} : memref<80x64xf32, #tpu.memory_space<vmem>>, vector<1x16xf32>,
        %get3A_665 = vector.shape_cast %get3A_664 : vector<1x16xf32> to vector<16xf32>
        %mul3A_666 = arith.mulf %get3A_665, %broadcast_in_dim3A_631 : vector<16xf32>
        %swap3A_667 = arith.index_cast %add3A_628 : i32 to index
        %swap3A_668 = arith.constant 48 : index
        %swap3A_669 = tpu.vector_load %arg11[%swap3A_667, %swap3A_668] {strides = array<i32>} : memref<80x64xf32, #tpu.memory_space<vmem>>, vector<1x16xf32>,
        %swap3A_670 = vector.shape_cast %swap3A_669 : vector<1x16xf32> to vector<16xf32>
        %swap3A_671 = vector.shape_cast %mul3A_666 : vector<16xf32> to vector<1x16xf32>
        tpu.vector_store %arg11[%swap3A_667, %swap3A_668], %swap3A_671 {strides = array<i32>} : memref<80x64xf32, #tpu.memory_space<vmem>>, vector<1x16xf32>,
        %mul3A_672 = arith.constant 16 : i32
        %mul3A_673 = arith.muli %scan3A_59, %mul3A_672 : i32
        %add3A_674 = arith.constant 13 : i32
        %add3A_675 = arith.addi %mul3A_673, %add3A_674 : i32
        %slice3A_676 = vector.extract_strided_slice %get3A_64 {offsets = [13], sizes = [1], strides = [1]} : vector<16xf32> to vector<1xf32>
        %squeeze3A_677 = vector.extract %slice3A_676[0] : f32 from vector<1xf32>
        %broadcast_in_dim3A_678 = vector.broadcast %squeeze3A_677 : f32 to vector<16xf32>
        %get3A_679 = arith.index_cast %add3A_675 : i32 to index
        %get3A_680 = arith.constant 0 : index
        %get3A_681 = tpu.vector_load %arg11[%get3A_679, %get3A_680] {strides = array<i32>} : memref<80x64xf32, #tpu.memory_space<vmem>>, vector<1x16xf32>,
        %get3A_682 = vector.shape_cast %get3A_681 : vector<1x16xf32> to vector<16xf32>
        %mul3A_683 = arith.mulf %get3A_682, %broadcast_in_dim3A_678 : vector<16xf32>
        %swap3A_684 = arith.index_cast %add3A_675 : i32 to index
        %swap3A_685 = arith.constant 0 : index
        %swap3A_686 = tpu.vector_load %arg11[%swap3A_684, %swap3A_685] {strides = array<i32>} : memref<80x64xf32, #tpu.memory_space<vmem>>, vector<1x16xf32>,
        %swap3A_687 = vector.shape_cast %swap3A_686 : vector<1x16xf32> to vector<16xf32>
        %swap3A_688 = vector.shape_cast %mul3A_683 : vector<16xf32> to vector<1x16xf32>
        tpu.vector_store %arg11[%swap3A_684, %swap3A_685], %swap3A_688 {strides = array<i32>} : memref<80x64xf32, #tpu.memory_space<vmem>>, vector<1x16xf32>,
        %get3A_689 = arith.index_cast %add3A_675 : i32 to index
        %get3A_690 = arith.constant 16 : index
        %get3A_691 = tpu.vector_load %arg11[%get3A_689, %get3A_690] {strides = array<i32>} : memref<80x64xf32, #tpu.memory_space<vmem>>, vector<1x16xf32>,
        %get3A_692 = vector.shape_cast %get3A_691 : vector<1x16xf32> to vector<16xf32>
        %mul3A_693 = arith.mulf %get3A_692, %broadcast_in_dim3A_678 : vector<16xf32>
        %swap3A_694 = arith.index_cast %add3A_675 : i32 to index
        %swap3A_695 = arith.constant 16 : index
        %swap3A_696 = tpu.vector_load %arg11[%swap3A_694, %swap3A_695] {strides = array<i32>} : memref<80x64xf32, #tpu.memory_space<vmem>>, vector<1x16xf32>,
        %swap3A_697 = vector.shape_cast %swap3A_696 : vector<1x16xf32> to vector<16xf32>
        %swap3A_698 = vector.shape_cast %mul3A_693 : vector<16xf32> to vector<1x16xf32>
        tpu.vector_store %arg11[%swap3A_694, %swap3A_695], %swap3A_698 {strides = array<i32>} : memref<80x64xf32, #tpu.memory_space<vmem>>, vector<1x16xf32>,
        %get3A_699 = arith.index_cast %add3A_675 : i32 to index
        %get3A_700 = arith.constant 32 : index
        %get3A_701 = tpu.vector_load %arg11[%get3A_699, %get3A_700] {strides = array<i32>} : memref<80x64xf32, #tpu.memory_space<vmem>>, vector<1x16xf32>,
        %get3A_702 = vector.shape_cast %get3A_701 : vector<1x16xf32> to vector<16xf32>
        %mul3A_703 = arith.mulf %get3A_702, %broadcast_in_dim3A_678 : vector<16xf32>
        %swap3A_704 = arith.index_cast %add3A_675 : i32 to index
        %swap3A_705 = arith.constant 32 : index
        %swap3A_706 = tpu.vector_load %arg11[%swap3A_704, %swap3A_705] {strides = array<i32>} : memref<80x64xf32, #tpu.memory_space<vmem>>, vector<1x16xf32>,
        %swap3A_707 = vector.shape_cast %swap3A_706 : vector<1x16xf32> to vector<16xf32>
        %swap3A_708 = vector.shape_cast %mul3A_703 : vector<16xf32> to vector<1x16xf32>
        tpu.vector_store %arg11[%swap3A_704, %swap3A_705], %swap3A_708 {strides = array<i32>} : memref<80x64xf32, #tpu.memory_space<vmem>>, vector<1x16xf32>,
        %get3A_709 = arith.index_cast %add3A_675 : i32 to index
        %get3A_710 = arith.constant 48 : index
        %get3A_711 = tpu.vector_load %arg11[%get3A_709, %get3A_710] {strides = array<i32>} : memref<80x64xf32, #tpu.memory_space<vmem>>, vector<1x16xf32>,
        %get3A_712 = vector.shape_cast %get3A_711 : vector<1x16xf32> to vector<16xf32>
        %mul3A_713 = arith.mulf %get3A_712, %broadcast_in_dim3A_678 : vector<16xf32>
        %swap3A_714 = arith.index_cast %add3A_675 : i32 to index
        %swap3A_715 = arith.constant 48 : index
        %swap3A_716 = tpu.vector_load %arg11[%swap3A_714, %swap3A_715] {strides = array<i32>} : memref<80x64xf32, #tpu.memory_space<vmem>>, vector<1x16xf32>,
        %swap3A_717 = vector.shape_cast %swap3A_716 : vector<1x16xf32> to vector<16xf32>
        %swap3A_718 = vector.shape_cast %mul3A_713 : vector<16xf32> to vector<1x16xf32>
        tpu.vector_store %arg11[%swap3A_714, %swap3A_715], %swap3A_718 {strides = array<i32>} : memref<80x64xf32, #tpu.memory_space<vmem>>, vector<1x16xf32>,
        %mul3A_719 = arith.constant 16 : i32
        %mul3A_720 = arith.muli %scan3A_59, %mul3A_719 : i32
        %add3A_721 = arith.constant 14 : i32
        %add3A_722 = arith.addi %mul3A_720, %add3A_721 : i32
        %slice3A_723 = vector.extract_strided_slice %get3A_64 {offsets = [14], sizes = [1], strides = [1]} : vector<16xf32> to vector<1xf32>
        %squeeze3A_724 = vector.extract %slice3A_723[0] : f32 from vector<1xf32>
        %broadcast_in_dim3A_725 = vector.broadcast %squeeze3A_724 : f32 to vector<16xf32>
        %get3A_726 = arith.index_cast %add3A_722 : i32 to index
        %get3A_727 = arith.constant 0 : index
        %get3A_728 = tpu.vector_load %arg11[%get3A_726, %get3A_727] {strides = array<i32>} : memref<80x64xf32, #tpu.memory_space<vmem>>, vector<1x16xf32>,
        %get3A_729 = vector.shape_cast %get3A_728 : vector<1x16xf32> to vector<16xf32>
        %mul3A_730 = arith.mulf %get3A_729, %broadcast_in_dim3A_725 : vector<16xf32>
        %swap3A_731 = arith.index_cast %add3A_722 : i32 to index
        %swap3A_732 = arith.constant 0 : index
        %swap3A_733 = tpu.vector_load %arg11[%swap3A_731, %swap3A_732] {strides = array<i32>} : memref<80x64xf32, #tpu.memory_space<vmem>>, vector<1x16xf32>,
        %swap3A_734 = vector.shape_cast %swap3A_733 : vector<1x16xf32> to vector<16xf32>
        %swap3A_735 = vector.shape_cast %mul3A_730 : vector<16xf32> to vector<1x16xf32>
        tpu.vector_store %arg11[%swap3A_731, %swap3A_732], %swap3A_735 {strides = array<i32>} : memref<80x64xf32, #tpu.memory_space<vmem>>, vector<1x16xf32>,
        %get3A_736 = arith.index_cast %add3A_722 : i32 to index
        %get3A_737 = arith.constant 16 : index
        %get3A_738 = tpu.vector_load %arg11[%get3A_736, %get3A_737] {strides = array<i32>} : memref<80x64xf32, #tpu.memory_space<vmem>>, vector<1x16xf32>,
        %get3A_739 = vector.shape_cast %get3A_738 : vector<1x16xf32> to vector<16xf32>
        %mul3A_740 = arith.mulf %get3A_739, %broadcast_in_dim3A_725 : vector<16xf32>
        %swap3A_741 = arith.index_cast %add3A_722 : i32 to index
        %swap3A_742 = arith.constant 16 : index
        %swap3A_743 = tpu.vector_load %arg11[%swap3A_741, %swap3A_742] {strides = array<i32>} : memref<80x64xf32, #tpu.memory_space<vmem>>, vector<1x16xf32>,
        %swap3A_744 = vector.shape_cast %swap3A_743 : vector<1x16xf32> to vector<16xf32>
        %swap3A_745 = vector.shape_cast %mul3A_740 : vector<16xf32> to vector<1x16xf32>
        tpu.vector_store %arg11[%swap3A_741, %swap3A_742], %swap3A_745 {strides = array<i32>} : memref<80x64xf32, #tpu.memory_space<vmem>>, vector<1x16xf32>,
        %get3A_746 = arith.index_cast %add3A_722 : i32 to index
        %get3A_747 = arith.constant 32 : index
        %get3A_748 = tpu.vector_load %arg11[%get3A_746, %get3A_747] {strides = array<i32>} : memref<80x64xf32, #tpu.memory_space<vmem>>, vector<1x16xf32>,
        %get3A_749 = vector.shape_cast %get3A_748 : vector<1x16xf32> to vector<16xf32>
        %mul3A_750 = arith.mulf %get3A_749, %broadcast_in_dim3A_725 : vector<16xf32>
        %swap3A_751 = arith.index_cast %add3A_722 : i32 to index
        %swap3A_752 = arith.constant 32 : index
        %swap3A_753 = tpu.vector_load %arg11[%swap3A_751, %swap3A_752] {strides = array<i32>} : memref<80x64xf32, #tpu.memory_space<vmem>>, vector<1x16xf32>,
        %swap3A_754 = vector.shape_cast %swap3A_753 : vector<1x16xf32> to vector<16xf32>
        %swap3A_755 = vector.shape_cast %mul3A_750 : vector<16xf32> to vector<1x16xf32>
        tpu.vector_store %arg11[%swap3A_751, %swap3A_752], %swap3A_755 {strides = array<i32>} : memref<80x64xf32, #tpu.memory_space<vmem>>, vector<1x16xf32>,
        %get3A_756 = arith.index_cast %add3A_722 : i32 to index
        %get3A_757 = arith.constant 48 : index
        %get3A_758 = tpu.vector_load %arg11[%get3A_756, %get3A_757] {strides = array<i32>} : memref<80x64xf32, #tpu.memory_space<vmem>>, vector<1x16xf32>,
        %get3A_759 = vector.shape_cast %get3A_758 : vector<1x16xf32> to vector<16xf32>
        %mul3A_760 = arith.mulf %get3A_759, %broadcast_in_dim3A_725 : vector<16xf32>
        %swap3A_761 = arith.index_cast %add3A_722 : i32 to index
        %swap3A_762 = arith.constant 48 : index
        %swap3A_763 = tpu.vector_load %arg11[%swap3A_761, %swap3A_762] {strides = array<i32>} : memref<80x64xf32, #tpu.memory_space<vmem>>, vector<1x16xf32>,
        %swap3A_764 = vector.shape_cast %swap3A_763 : vector<1x16xf32> to vector<16xf32>
        %swap3A_765 = vector.shape_cast %mul3A_760 : vector<16xf32> to vector<1x16xf32>
        tpu.vector_store %arg11[%swap3A_761, %swap3A_762], %swap3A_765 {strides = array<i32>} : memref<80x64xf32, #tpu.memory_space<vmem>>, vector<1x16xf32>,
        %mul3A_766 = arith.constant 16 : i32
        %mul3A_767 = arith.muli %scan3A_59, %mul3A_766 : i32
        %add3A_768 = arith.constant 15 : i32
        %add3A_769 = arith.addi %mul3A_767, %add3A_768 : i32
        %slice3A_770 = vector.extract_strided_slice %get3A_64 {offsets = [15], sizes = [1], strides = [1]} : vector<16xf32> to vector<1xf32>
        %squeeze3A_771 = vector.extract %slice3A_770[0] : f32 from vector<1xf32>
        %broadcast_in_dim3A_772 = vector.broadcast %squeeze3A_771 : f32 to vector<16xf32>
        %get3A_773 = arith.index_cast %add3A_769 : i32 to index
        %get3A_774 = arith.constant 0 : index
        %get3A_775 = tpu.vector_load %arg11[%get3A_773, %get3A_774] {strides = array<i32>} : memref<80x64xf32, #tpu.memory_space<vmem>>, vector<1x16xf32>,
        %get3A_776 = vector.shape_cast %get3A_775 : vector<1x16xf32> to vector<16xf32>
        %mul3A_777 = arith.mulf %get3A_776, %broadcast_in_dim3A_772 : vector<16xf32>
        %swap3A_778 = arith.index_cast %add3A_769 : i32 to index
        %swap3A_779 = arith.constant 0 : index
        %swap3A_780 = tpu.vector_load %arg11[%swap3A_778, %swap3A_779] {strides = array<i32>} : memref<80x64xf32, #tpu.memory_space<vmem>>, vector<1x16xf32>,
        %swap3A_781 = vector.shape_cast %swap3A_780 : vector<1x16xf32> to vector<16xf32>
        %swap3A_782 = vector.shape_cast %mul3A_777 : vector<16xf32> to vector<1x16xf32>
        tpu.vector_store %arg11[%swap3A_778, %swap3A_779], %swap3A_782 {strides = array<i32>} : memref<80x64xf32, #tpu.memory_space<vmem>>, vector<1x16xf32>,
        %get3A_783 = arith.index_cast %add3A_769 : i32 to index
        %get3A_784 = arith.constant 16 : index
        %get3A_785 = tpu.vector_load %arg11[%get3A_783, %get3A_784] {strides = array<i32>} : memref<80x64xf32, #tpu.memory_space<vmem>>, vector<1x16xf32>,
        %get3A_786 = vector.shape_cast %get3A_785 : vector<1x16xf32> to vector<16xf32>
        %mul3A_787 = arith.mulf %get3A_786, %broadcast_in_dim3A_772 : vector<16xf32>
        %swap3A_788 = arith.index_cast %add3A_769 : i32 to index
        %swap3A_789 = arith.constant 16 : index
        %swap3A_790 = tpu.vector_load %arg11[%swap3A_788, %swap3A_789] {strides = array<i32>} : memref<80x64xf32, #tpu.memory_space<vmem>>, vector<1x16xf32>,
        %swap3A_791 = vector.shape_cast %swap3A_790 : vector<1x16xf32> to vector<16xf32>
        %swap3A_792 = vector.shape_cast %mul3A_787 : vector<16xf32> to vector<1x16xf32>
        tpu.vector_store %arg11[%swap3A_788, %swap3A_789], %swap3A_792 {strides = array<i32>} : memref<80x64xf32, #tpu.memory_space<vmem>>, vector<1x16xf32>,
        %get3A_793 = arith.index_cast %add3A_769 : i32 to index
        %get3A_794 = arith.constant 32 : index
        %get3A_795 = tpu.vector_load %arg11[%get3A_793, %get3A_794] {strides = array<i32>} : memref<80x64xf32, #tpu.memory_space<vmem>>, vector<1x16xf32>,
        %get3A_796 = vector.shape_cast %get3A_795 : vector<1x16xf32> to vector<16xf32>
        %mul3A_797 = arith.mulf %get3A_796, %broadcast_in_dim3A_772 : vector<16xf32>
        %swap3A_798 = arith.index_cast %add3A_769 : i32 to index
        %swap3A_799 = arith.constant 32 : index
        %swap3A_800 = tpu.vector_load %arg11[%swap3A_798, %swap3A_799] {strides = array<i32>} : memref<80x64xf32, #tpu.memory_space<vmem>>, vector<1x16xf32>,
        %swap3A_801 = vector.shape_cast %swap3A_800 : vector<1x16xf32> to vector<16xf32>
        %swap3A_802 = vector.shape_cast %mul3A_797 : vector<16xf32> to vector<1x16xf32>
        tpu.vector_store %arg11[%swap3A_798, %swap3A_799], %swap3A_802 {strides = array<i32>} : memref<80x64xf32, #tpu.memory_space<vmem>>, vector<1x16xf32>,
        %get3A_803 = arith.index_cast %add3A_769 : i32 to index
        %get3A_804 = arith.constant 48 : index
        %get3A_805 = tpu.vector_load %arg11[%get3A_803, %get3A_804] {strides = array<i32>} : memref<80x64xf32, #tpu.memory_space<vmem>>, vector<1x16xf32>,
        %get3A_806 = vector.shape_cast %get3A_805 : vector<1x16xf32> to vector<16xf32>
        %mul3A_807 = arith.mulf %get3A_806, %broadcast_in_dim3A_772 : vector<16xf32>
        %swap3A_808 = arith.index_cast %add3A_769 : i32 to index
        %swap3A_809 = arith.constant 48 : index
        %swap3A_810 = tpu.vector_load %arg11[%swap3A_808, %swap3A_809] {strides = array<i32>} : memref<80x64xf32, #tpu.memory_space<vmem>>, vector<1x16xf32>,
        %swap3A_811 = vector.shape_cast %swap3A_810 : vector<1x16xf32> to vector<16xf32>
        %swap3A_812 = vector.shape_cast %mul3A_807 : vector<16xf32> to vector<1x16xf32>
        tpu.vector_store %arg11[%swap3A_808, %swap3A_809], %swap3A_812 {strides = array<i32>} : memref<80x64xf32, #tpu.memory_space<vmem>>, vector<1x16xf32>,
        %scan3A_813 = arith.constant 0 : i32
        scf.yield %scan3A_813 : i32
      }
      %scan3A_57 = arith.constant 5 : i32
      "tpu.region"() ({
        %run_scoped3A = tpu.sem_alloc : memref<!tpu.dma_semaphore, #tpu.memory_space<semaphore_mem>>
        %dma_start3A_59 = arith.constant 0 : i32
        %dma_start3A_60 = arith.constant 0 : i32
        %dma_start3A_61 = tpu.memref_slice %arg7[%dma_start3A_59, %dma_start3A_60] : memref<10000x64xf32, #tpu.memory_space<vmem_shared>> -> memref<10000x64xf32, #tpu.memory_space<vmem_shared>>
        tpu.enqueue_indirect_dma source(%arg11 : memref<80x64xf32, #tpu.memory_space<vmem>>) target(%dma_start3A_61 : memref<10000x64xf32, #tpu.memory_space<vmem_shared>>) offsets(%arg9 : memref<80xi32, #tpu.memory_space<vmem>>) semaphore(%run_scoped3A : memref<!tpu.dma_semaphore, #tpu.memory_space<semaphore_mem>>) {add = true}
        %dma_wait3A_62 = arith.constant 0 : i32
        %dma_wait3A_63 = arith.constant 0 : i32
        %dma_wait3A_64 = tpu.memref_slice %arg7[%dma_wait3A_62, %dma_wait3A_63] : memref<10000x64xf32, #tpu.memory_space<vmem_shared>> -> memref<10000x64xf32, #tpu.memory_space<vmem_shared>>
        tpu.wait_indirect_dma semaphore(%run_scoped3A : memref<!tpu.dma_semaphore, #tpu.memory_space<semaphore_mem>>) src(%arg11 : memref<80x64xf32, #tpu.memory_space<vmem>>) dst(%dma_wait3A_64 : memref<10000x64xf32, #tpu.memory_space<vmem_shared>>)
        tpu.yield
      }) : () -> ()
      %scan3A_58 = arith.constant 0 : i32
      scf.yield %scan3A_58 : i32
    }
    %scan3A_35 = arith.constant 125 : i32
    %barrier3A_36 = arith.constant 0 : index
    tpu.barrier barrier_id(%barrier3A_36)
    "tpu.region"() ({
      %run_scoped3A = tpu.sem_alloc : memref<!tpu.dma_semaphore, #tpu.memory_space<semaphore_mem>>
      %dma_start3A = arith.constant 0 : i32
      %dma_start3A_42 = tpu.memref_slice %arg6[%arg0, %multiple_of3A, %dma_start3A] : memref<2x10000x64xf32, #tpu.memory_space<hbm>> -> memref<1x624x64xf32, #tpu.memory_space<hbm>>
      %dma_start3A_43 = tpu.memref_squeeze %dma_start3A_42 : memref<1x624x64xf32, #tpu.memory_space<hbm>> -> memref<624x64xf32, #tpu.memory_space<hbm>>
      %dma_start3A_44 = arith.constant 0 : i32
      %dma_start3A_45 = tpu.memref_slice %arg7[%multiple_of3A, %dma_start3A_44] : memref<10000x64xf32, #tpu.memory_space<vmem_shared>> -> memref<624x64xf32, #tpu.memory_space<vmem_shared>>
      tpu.enqueue_dma source(%dma_start3A_45 : memref<624x64xf32, #tpu.memory_space<vmem_shared>>) target(%dma_start3A_43 : memref<624x64xf32, #tpu.memory_space<hbm>>) target_semaphore(%run_scoped3A : memref<!tpu.dma_semaphore, #tpu.memory_space<semaphore_mem>>)
      %dma_wait3A = arith.constant 0 : i32
      %dma_wait3A_46 = tpu.memref_slice %arg6[%arg0, %multiple_of3A, %dma_wait3A] : memref<2x10000x64xf32, #tpu.memory_space<hbm>> -> memref<1x624x64xf32, #tpu.memory_space<hbm>>
      %dma_wait3A_47 = tpu.memref_squeeze %dma_wait3A_46 : memref<1x624x64xf32, #tpu.memory_space<hbm>> -> memref<624x64xf32, #tpu.memory_space<hbm>>
      %dma_wait3A_48 = arith.constant 0 : i32
      %dma_wait3A_49 = tpu.memref_slice %arg7[%multiple_of3A, %dma_wait3A_48] : memref<10000x64xf32, #tpu.memory_space<vmem_shared>> -> memref<624x64xf32, #tpu.memory_space<vmem_shared>>
      tpu.wait_dma2 semaphore(%run_scoped3A : memref<!tpu.dma_semaphore, #tpu.memory_space<semaphore_mem>>) src(%dma_wait3A_49 : memref<624x64xf32, #tpu.memory_space<vmem_shared>>) dst(%dma_wait3A_47 : memref<624x64xf32, #tpu.memory_space<hbm>>)
      tpu.yield
    }) : () -> ()
    %eq3A_37 = arith.constant 0 : i32
    %eq3A_38 = arith.cmpi eq, %arg1, %eq3A_37 : i32
    %convert_element_type3A_39 = arith.extui %eq3A_38 : i1 to i32
    %cond3A_40 = arith.constant 0 : i32
    %cond3A_41 = arith.cmpi ne, %convert_element_type3A_39, %cond3A_40 : i32
    scf.if %cond3A_41 {
      "tpu.region"() ({
        %run_scoped3A = tpu.sem_alloc : memref<!tpu.dma_semaphore, #tpu.memory_space<semaphore_mem>>
        %dma_start3A = arith.constant 9984 : i32
        %dma_start3A_42 = arith.constant 0 : i32
        %dma_start3A_43 = tpu.memref_slice %arg6[%arg0, %dma_start3A, %dma_start3A_42] : memref<2x10000x64xf32, #tpu.memory_space<hbm>> -> memref<1x16x64xf32, #tpu.memory_space<hbm>>
        %dma_start3A_44 = tpu.memref_squeeze %dma_start3A_43 : memref<1x16x64xf32, #tpu.memory_space<hbm>> -> memref<16x64xf32, #tpu.memory_space<hbm>>
        %dma_start3A_45 = arith.constant 9984 : i32
        %dma_start3A_46 = arith.constant 0 : i32
        %dma_start3A_47 = tpu.memref_slice %arg7[%dma_start3A_45, %dma_start3A_46] : memref<10000x64xf32, #tpu.memory_space<vmem_shared>> -> memref<16x64xf32, #tpu.memory_space<vmem_shared>>
        tpu.enqueue_dma source(%dma_start3A_47 : memref<16x64xf32, #tpu.memory_space<vmem_shared>>) target(%dma_start3A_44 : memref<16x64xf32, #tpu.memory_space<hbm>>) target_semaphore(%run_scoped3A : memref<!tpu.dma_semaphore, #tpu.memory_space<semaphore_mem>>)
        %dma_wait3A = arith.constant 9984 : i32
        %dma_wait3A_48 = arith.constant 0 : i32
        %dma_wait3A_49 = tpu.memref_slice %arg6[%arg0, %dma_wait3A, %dma_wait3A_48] : memref<2x10000x64xf32, #tpu.memory_space<hbm>> -> memref<1x16x64xf32, #tpu.memory_space<hbm>>
        %dma_wait3A_50 = tpu.memref_squeeze %dma_wait3A_49 : memref<1x16x64xf32, #tpu.memory_space<hbm>> -> memref<16x64xf32, #tpu.memory_space<hbm>>
        %dma_wait3A_51 = arith.constant 9984 : i32
        %dma_wait3A_52 = arith.constant 0 : i32
        %dma_wait3A_53 = tpu.memref_slice %arg7[%dma_wait3A_51, %dma_wait3A_52] : memref<10000x64xf32, #tpu.memory_space<vmem_shared>> -> memref<16x64xf32, #tpu.memory_space<vmem_shared>>
        tpu.wait_dma2 semaphore(%run_scoped3A : memref<!tpu.dma_semaphore, #tpu.memory_space<semaphore_mem>>) src(%dma_wait3A_53 : memref<16x64xf32, #tpu.memory_space<vmem_shared>>) dst(%dma_wait3A_50 : memref<16x64xf32, #tpu.memory_space<hbm>>)
        tpu.yield
      }) : () -> ()
    } else {
    }
    return
  }
}

module attributes {stable_mosaic.version = 14 : i64} {
  func.func @_mm_body(%arg0: i32, %arg1: memref<400x128xf32, #tpu.memory_space<vmem>>, %arg2: memref<128x64xf32, #tpu.memory_space<vmem>>, %arg3: memref<400x64xf32, #tpu.memory_space<vmem>>) attributes {dimension_semantics = [#tpu.dimension_semantics<arbitrary>], iteration_bounds = array<i64: 25>, scalar_prefetch = 0 : i64, scratch_operands = 0 : i64, tpu.core_type = #tpu.core_type<tc>, window_params = [{transform_indices = @transform_0, window_bounds = array<i64: 400, 128>}, {pipeline_mode = #tpu.pipeline_mode<synchronous>, transform_indices = @transform_1, window_bounds = array<i64: 128, 64>}, {transform_indices = @transform_2, window_bounds = array<i64: 400, 64>}]} {
    %get3A = arith.constant 0 : index
    %get3A_0 = arith.constant 0 : index
    %get3A_1 = vector.load %arg1[%get3A, %get3A_0] : memref<400x128xf32, #tpu.memory_space<vmem>>, vector<400x128xf32>
    %get3A_2 = arith.constant 0 : index
    %get3A_3 = arith.constant 0 : index
    %get3A_4 = vector.load %arg2[%get3A_2, %get3A_3] : memref<128x64xf32, #tpu.memory_space<vmem>>, vector<128x64xf32>
    %dot_general3A = arith.constant dense<0.000000e+00> : vector<400x64xf32>
    %dot_general3A_5 = tpu.matmul %get3A_1, %get3A_4, %dot_general3A {dimension_numbers = #tpu.dot_dimension_numbers<[1], [0], [0], [1], [0, 0, 1, 1], [], []>, transpose_lhs_hint = false} : vector<400x128xf32>, vector<128x64xf32>, vector<400x64xf32> -> vector<400x64xf32>
    %swap3A = arith.constant 0 : index
    %swap3A_6 = arith.constant 0 : index
    %swap3A_7 = vector.load %arg3[%swap3A, %swap3A_6] : memref<400x64xf32, #tpu.memory_space<vmem>>, vector<400x64xf32>
    tpu.vector_store %arg3[%swap3A, %swap3A_6], %dot_general3A_5 {strides = array<i32>} : memref<400x64xf32, #tpu.memory_space<vmem>>, vector<400x64xf32>,
    return
  }
  func.func @transform_0(%arg0: i32) -> (i32, i32) {
    %c0_i32 = arith.constant 0 : i32
    %c0_i32_0 = arith.constant 0 : i32
    return %arg0, %c0_i32 : i32, i32
  }
  func.func @transform_1(%arg0: i32) -> (i32, i32) {
    %c0_i32 = arith.constant 0 : i32
    %c0_i32_0 = arith.constant 0 : i32
    %c0_i32_1 = arith.constant 0 : i32
    return %c0_i32, %c0_i32_0 : i32, i32
  }
  func.func @transform_2(%arg0: i32) -> (i32, i32) {
    %c0_i32 = arith.constant 0 : i32
    %c0_i32_0 = arith.constant 0 : i32
    return %arg0, %c0_i32 : i32, i32
  }
}

module attributes {stable_mosaic.version = 14 : i64} {
  func.func @_fin_body(%arg0: i32, %arg1: memref<400x32xf32, #tpu.memory_space<vmem>>, %arg2: memref<400x32xf32, #tpu.memory_space<vmem>>, %arg3: memref<400x32xf32, #tpu.memory_space<vmem>>, %arg4: memref<400x32xf32, #tpu.memory_space<vmem>>, %arg5: memref<400x32xf32, #tpu.memory_space<vmem>>, %arg6: memref<1x32xf32, #tpu.memory_space<vmem>>, %arg7: memref<1x32xf32, #tpu.memory_space<vmem>>, %arg8: memref<400x32xf32, #tpu.memory_space<vmem>>) attributes {dimension_semantics = [#tpu.dimension_semantics<arbitrary>], iteration_bounds = array<i64: 25>, scalar_prefetch = 0 : i64, scratch_operands = 0 : i64, tpu.core_type = #tpu.core_type<tc>, window_params = [{transform_indices = @transform_0, window_bounds = array<i64: 400, 32>}, {transform_indices = @transform_1, window_bounds = array<i64: 400, 32>}, {transform_indices = @transform_2, window_bounds = array<i64: 400, 32>}, {transform_indices = @transform_3, window_bounds = array<i64: 400, 32>}, {transform_indices = @transform_4, window_bounds = array<i64: 400, 32>}, {pipeline_mode = #tpu.pipeline_mode<synchronous>, transform_indices = @transform_5, window_bounds = array<i64: 1, 32>}, {pipeline_mode = #tpu.pipeline_mode<synchronous>, transform_indices = @transform_6, window_bounds = array<i64: 1, 32>}, {transform_indices = @transform_7, window_bounds = array<i64: 400, 32>}]} {
    %get3A = arith.constant 0 : index
    %get3A_0 = arith.constant 0 : index
    %get3A_1 = vector.load %arg1[%get3A, %get3A_0] : memref<400x32xf32, #tpu.memory_space<vmem>>, vector<400x32xf32>
    %get3A_2 = arith.constant 0 : index
    %get3A_3 = arith.constant 0 : index
    %get3A_4 = vector.load %arg3[%get3A_2, %get3A_3] : memref<400x32xf32, #tpu.memory_space<vmem>>, vector<400x32xf32>
    %add3A = arith.addf %get3A_1, %get3A_4 : vector<400x32xf32>
    %get3A_5 = arith.constant 0 : index
    %get3A_6 = arith.constant 0 : index
    %get3A_7 = vector.load %arg6[%get3A_5, %get3A_6] : memref<1x32xf32, #tpu.memory_space<vmem>>, vector<1x32xf32>
    %add3A_8 = vector.broadcast %get3A_7 : vector<1x32xf32> to vector<400x32xf32>
    %add3A_9 = arith.addf %add3A, %add3A_8 : vector<400x32xf32>
    %get3A_10 = arith.constant 0 : index
    %get3A_11 = arith.constant 0 : index
    %get3A_12 = vector.load %arg2[%get3A_10, %get3A_11] : memref<400x32xf32, #tpu.memory_space<vmem>>, vector<400x32xf32>
    %get3A_13 = arith.constant 0 : index
    %get3A_14 = arith.constant 0 : index
    %get3A_15 = vector.load %arg4[%get3A_13, %get3A_14] : memref<400x32xf32, #tpu.memory_space<vmem>>, vector<400x32xf32>
    %add3A_16 = arith.addf %get3A_12, %get3A_15 : vector<400x32xf32>
    %get3A_17 = arith.constant 0 : index
    %get3A_18 = arith.constant 0 : index
    %get3A_19 = vector.load %arg7[%get3A_17, %get3A_18] : memref<1x32xf32, #tpu.memory_space<vmem>>, vector<1x32xf32>
    %add3A_20 = vector.broadcast %get3A_19 : vector<1x32xf32> to vector<400x32xf32>
    %add3A_21 = arith.addf %add3A_16, %add3A_20 : vector<400x32xf32>
    %get3A_22 = arith.constant 0 : index
    %get3A_23 = arith.constant 0 : index
    %get3A_24 = vector.load %arg5[%get3A_22, %get3A_23] : memref<400x32xf32, #tpu.memory_space<vmem>>, vector<400x32xf32>
    %exp3A = math.exp %add3A_21 : vector<400x32xf32>
    %mul3A = arith.mulf %get3A_24, %exp3A : vector<400x32xf32>
    %add3A_25 = arith.addf %mul3A, %add3A_9 : vector<400x32xf32>
    %swap3A = arith.constant 0 : index
    %swap3A_26 = arith.constant 0 : index
    %swap3A_27 = vector.load %arg8[%swap3A, %swap3A_26] : memref<400x32xf32, #tpu.memory_space<vmem>>, vector<400x32xf32>
    tpu.vector_store %arg8[%swap3A, %swap3A_26], %add3A_25 {strides = array<i32>} : memref<400x32xf32, #tpu.memory_space<vmem>>, vector<400x32xf32>,
    return
  }
  func.func @transform_0(%arg0: i32) -> (i32, i32) {
    %c0_i32 = arith.constant 0 : i32
    %c0_i32_0 = arith.constant 0 : i32
    return %arg0, %c0_i32 : i32, i32
  }
  func.func @transform_1(%arg0: i32) -> (i32, i32) {
    %c0_i32 = arith.constant 0 : i32
    %c0_i32_0 = arith.constant 0 : i32
    return %arg0, %c0_i32 : i32, i32
  }
  func.func @transform_2(%arg0: i32) -> (i32, i32) {
    %c0_i32 = arith.constant 0 : i32
    %c0_i32_0 = arith.constant 0 : i32
    return %arg0, %c0_i32 : i32, i32
  }
  func.func @transform_3(%arg0: i32) -> (i32, i32) {
    %c0_i32 = arith.constant 0 : i32
    %c0_i32_0 = arith.constant 0 : i32
    return %arg0, %c0_i32 : i32, i32
  }
  func.func @transform_4(%arg0: i32) -> (i32, i32) {
    %c0_i32 = arith.constant 0 : i32
    %c0_i32_0 = arith.constant 0 : i32
    return %arg0, %c0_i32 : i32, i32
  }
  func.func @transform_5(%arg0: i32) -> (i32, i32) {
    %c0_i32 = arith.constant 0 : i32
    %c0_i32_0 = arith.constant 0 : i32
    %c0_i32_1 = arith.constant 0 : i32
    return %c0_i32, %c0_i32_0 : i32, i32
  }
  func.func @transform_6(%arg0: i32) -> (i32, i32) {
    %c0_i32 = arith.constant 0 : i32
    %c0_i32_0 = arith.constant 0 : i32
    %c0_i32_1 = arith.constant 0 : i32
    return %c0_i32, %c0_i32_0 : i32, i32
  }
  func.func @transform_7(%arg0: i32) -> (i32, i32) {
    %c0_i32 = arith.constant 0 : i32
    %c0_i32_0 = arith.constant 0 : i32
    return %arg0, %c0_i32 : i32, i32
  }
}

</mosaic_0001>

<sc_bundles>
// kernel: kernel.5.cloned.1.call-start
scs
__scs_entry_jumppad:
0x0: {  	(pc) =	sbr.rel $0x88, $3  }
0x1: {  	(tag) =	ssettag $0x0;
	lr =	simm.s32 $0x1  }
0x2: {  	[smem:$0x3F99] =	sst lr;
	_ =	strace $0xD0000000  }
0x3: {  	_ = 	snop  }
0x4: {  	_ = 	snop  }
0x5: {  	_ = 	snop  }
0x6: {  	_ = 	snop  }
0x7: {  	_ = 	snop  }
__scs_overlays_trampoline_lowered:
0x8: {  	[smem:$0x3FA8] =	sst s0  }
0x9: {  	[smem:$0x3FA9] =	sst s1  }
0xa: {  	[smem:$0x3FAA] =	sst s2  }
0xb: {  	[smem:$0x3FAB] =	sst s3  }
0xc: {  	[smem:$0x3FAC] =	sst s4  }
0xd: {  	[smem:$0x3FAD] =	sst s5  }
0xe: {  	[smem:$0x3FAE] =	sst s6  }
0xf: {  	[smem:$0x3FAF] =	sst s7  }
0x10: {  	[smem:$0x3FB0] =	sst s8  }
0x11: {  	[smem:$0x3FB1] =	sst s9;
	s0 =	simm.s32 @!p0 $0x0  }
0x12: {  	s1 =	sld [smem:$0x3F97];
	s0 =	simm.s32 @p0 $0x1  }
0x13: {  	[smem:$0x3FB2] =	sst s0;
	s0 =	simm.s32 @!p1 $0x0  }
0x14: {  	s2 =	sld [smem:$0x3F96];
	s0 =	simm.s32 @p1 $0x1  }
0x15: {  	[smem:$0x3FB3] =	sst s0;
	s0 =	simm.s32 @!p2 $0x0  }
0x16: {  	s3 =	sld [smem:$0x3FDB];
	s0 =	simm.s32 @p2 $0x1  }
0x17: {  	s4 =	simm.s32 $0x1BF5;
	[smem:$0x3FB5] =	sst s0  }
0x18: {  	s0 =	sld [smem:$0x3F98];
	_ =	swait.ge [sflag:s4], $0x0  }
0x19: {  	s7 =	sld [smem:$0x3F99]  }
0x1a: {  	s8 =	sadd.s32 $0xFFFFE003, lr  }
0x1b: {  	s9 =	sadd.s32 $0xFFFFFEF7, lr;
	s5 =	simm.s32 $0xFFFFFFFF;
	p2 =	slt.u32 s8, $0xFFFFF086  }
0x1c: {  	p1 =	slt.u32 s9, $0xF7A;
	s5 =	simm.s32 @!p2 $0x0  }
0x1d: {  	s5 =	simm.s32 @p1 $0x1;
	p0 =	seq.s32 s7, s2  }
0x1e: {  	s7 =	smul.u32 @!p0 $0xF7A, s2;
	p2 =	seq.s32 @!p0 s5, $0x0  }
0x1f: {  	s9 =	smul.u32 $0xF7A, s1;
	s8 =	simm.s32 @!p0 $0x1BF5;
	p2 =	por !p2, p0  }
0x20: {  	[sflag:s8] =	ssyncset.s32 @!p0 $0xFFFFF086;
	s6 =	sadd.s32 @!p0 s3, s7;
	s7 =	simm.s32 @!p0 $0x108  }
0x21: {  	s3 =	sadd.s32 s3, s9;
	s6 =	sadd.s32 @!p0 $0x88, s6;
	s7 =	simm.s32 @p2 $0x1082  }
0x22: {  	[simem:s7], [sflag:s8] =	dma.local @!p0 [hbm:s6], $0xF7A  }
0x23: {  	s9 =	sor.u32 $0xD0000000, s2;
	s6 =	simm.s32 $0x108;
	_ =	swait.ge @!p0 [sflag:s8], $0x0  }
0x24: {  	s3 =	sadd.s32 $0x88, s3;
	s6 =	simm.s32 @!p1 $0x1082;
	[sflag:s4] =	ssyncset.s32 $0xFFFFF086  }
0x25: {  	[simem:s6], [sflag:s4] =	dma.local [hbm:s3], $0xF7A  }
0x26: {  	[smem:$0x3F99] =	sst s1;
	(tag) =	ssettag s2;
	_ =	strace s9  }
0x27: {  	s1 =	sld [smem:$0x3FA9]  }
0x28: {  	s2 =	sld [smem:$0x3FAA]  }
0x29: {  	s4 =	sld [smem:$0x3FAC]  }
0x2a: {  	p0 =	seq.s32 s5, $0x0;
	s5 =	sld [smem:$0x3FAD]  }
0x2b: {  	s6 =	sld [smem:$0x3FAE]  }
0x2c: {  	s7 =	sld [smem:$0x3FAF]  }
0x2d: {  	s3 =	simm.s32 $0x108;
	s8 =	sld [smem:$0x3FB0]  }
0x2e: {  	s3 =	simm.s32 @!p0 $0x1082;
	s9 =	sld [smem:$0x3FB1]  }
0x2f: {  	lr =	sadd.s32 s0, s3;
	s0 =	sld [smem:$0x3FA8]  }
0x30: {  	s3 =	sld [smem:$0x3FAB]  }
0x31: {  	[smem:$0x3FB4] =	sst s10  }
0x32: {  	s10 =	sld [smem:$0x3FB2];
	_ =	sdelay $0x3  }
0x33: {  	p0 =	seq.s32 s10, $0x1;
	s10 =	sld [smem:$0x3FB4];
	_ =	sdelay $0x3  }
0x34: {  	[smem:$0x3FB4] =	sst s10  }
0x35: {  	s10 =	sld [smem:$0x3FB3];
	_ =	sdelay $0x3  }
0x36: {  	p1 =	seq.s32 s10, $0x1;
	s10 =	sld [smem:$0x3FB4];
	_ =	sdelay $0x3  }
0x37: {  	[smem:$0x3FB4] =	sst s10  }
0x38: {  	s10 =	sld [smem:$0x3FB5]  }
0x39: {  	_ = 	snop;
	(pc) =	sbr.ind lr, $3  }
0x3a: {  	_ = 	snop  }
0x3b: {  	_ = 	snop  }
0x3c: {  	p2 =	seq.s32 s10, $0x1;
	s10 =	sld [smem:$0x3FB4]  }
0x3d: {  	_ =	shalt  }
0x3e: {  	_ =	shalt  }
0x3f: {  	_ =	shalt  }
0x40: {  	_ =	shalt  }
0x41: {  	_ =	shalt  }
0x42: {  	_ =	shalt  }
0x43: {  	_ =	shalt  }
0x44: {  	_ =	shalt  }
0x45: {  	_ =	shalt  }
0x46: {  	_ =	shalt  }
0x47: {  	_ =	shalt  }
0x48: {  	_ =	shalt  }
0x49: {  	_ =	shalt  }
0x4a: {  	_ =	shalt  }
0x4b: {  	_ =	shalt  }
0x4c: {  	_ =	shalt  }
0x4d: {  	_ =	shalt  }
0x4e: {  	_ =	shalt  }
0x4f: {  	_ =	shalt  }
0x50: {  	_ =	shalt  }
0x51: {  	_ =	shalt  }
0x52: {  	_ =	shalt  }
0x53: {  	_ =	shalt  }
0x54: {  	_ =	shalt  }
0x55: {  	_ =	shalt  }
0x56: {  	_ =	shalt  }
0x57: {  	_ =	shalt  }
0x58: {  	_ =	shalt  }
0x59: {  	_ =	shalt  }
0x5a: {  	_ =	shalt  }
0x5b: {  	_ =	shalt  }
0x5c: {  	_ =	shalt  }
0x5d: {  	_ =	shalt  }
0x5e: {  	_ =	shalt  }
0x5f: {  	_ =	shalt  }
0x60: {  	_ =	shalt  }
0x61: {  	_ =	shalt  }
0x62: {  	_ =	shalt  }
0x63: {  	_ =	shalt  }
0x64: {  	_ =	shalt  }
0x65: {  	_ =	shalt  }
0x66: {  	_ =	shalt  }
0x67: {  	_ =	shalt  }
0x68: {  	_ =	shalt  }
0x69: {  	_ =	shalt  }
0x6a: {  	_ =	shalt  }
0x6b: {  	_ =	shalt  }
0x6c: {  	_ =	shalt  }
0x6d: {  	_ =	shalt  }
0x6e: {  	_ =	shalt  }
0x6f: {  	_ =	shalt  }
0x70: {  	_ =	shalt  }
0x71: {  	_ =	shalt  }
0x72: {  	_ =	shalt  }
0x73: {  	_ =	shalt  }
0x74: {  	_ =	shalt  }
0x75: {  	_ =	shalt  }
0x76: {  	_ =	shalt  }
0x77: {  	_ =	shalt  }
0x78: {  	_ =	shalt  }
0x79: {  	_ =	shalt  }
0x7a: {  	_ =	shalt  }
0x7b: {  	_ =	shalt  }
0x7c: {  	_ =	shalt  }
0x7d: {  	_ =	shalt  }
0x7e: {  	_ =	shalt  }
0x7f: {  	_ =	shalt  }
0x80: {  	_ =	shalt  }
0x81: {  	_ =	shalt  }
0x82: {  	_ =	shalt  }
0x83: {  	_ =	shalt  }
0x84: {  	_ =	shalt  }
0x85: {  	_ =	shalt  }
0x86: {  	_ =	shalt  }
0x87: {  	_ =	shalt  }
.Lfunc_end0:
.L_simem_size_0:
called_computation_lowered:
.L_overlay_start_0:
0x88: {  	s2 =	sld [smem:$0x3FD9]  }
0x89: {  	s3 =	sld [smem:$0x3FFE];
	_ =	sdelay $0x1  }
0x8a: {  	s1 =	srdreg.scid  }
0x8b: {  	s0 =	sand.u32 $0x1, s1  }
0x8c: {  	s17 =	sshll.u32 s0, $0xA;
	s2 =	sadd.s32 s3, s2  }
0x8d: {  	s2 =	sadd.s32 s2, s17  }
0x8e: {  	[smem:$0x3FC0] =	sst s2  }
0x8f: {  	_ = 	snop  }
0x90: {  	s2 =	sld [smem:$0x3FC7]  }
0x91: {  	s18 =	sld [smem:$0x3FD0];
	(tm) =	ssettm $0x1  }
0x92: {  	s4 =	sld [smem:$0x3FFB];
	_ =	sdelay $0x3  }
0x93: {  	_ =	strace s4  }
0x94: {  	s4 =	sld [smem:$0x3FFC];
	_ =	sdelay $0x3  }
0x95: {  	_ =	strace s4  }
0x96: {  	s4 =	sld [smem:$0x3FFD];
	_ =	sdelay $0x3  }
0x97: {  	_ =	strace s4  }
0x98: {  	_ =	strace $0x8FFFFFFF  }
0x99: {  	s19 =	sld [smem:$0x3FDB];
	_ =	sdelay $0x1  }
0x9a: {  	s5 =	simm.s32 $_scs_section_size  }
0x9b: {  	s6 =	simm.s32 $_size__tile_overlayer_lowered;
	s7 =	simm.s32 $_tile_overlayer_lowered  }
0x9c: {  	s22 =	simm.s32 $0x1BFF;
	s21 =	sshll.u32 s7, $0x1;
	s4 =	sadd.s32 s5, s19  }
0x9d: {  	s8 =	simm.s32 $0x0;
	s20 =	sshll.u32 s6, $0x1;
	s6 =	sadd.s32 s21, s4  }
0x9e: {  	[timem:s8], [sflag:s22] =	dma.local [hbm:s6], s20  }
0x9f: {  	_ =	swait.ge [sflag:s22], s20  }
0xa0: {  	s5 =	ssub.s32 $0x0, s20;
	[sflag:s22] =	ssyncset.done $0x0  }
0xa1: {  	[sflag:s22] =	ssyncadd.s32 s5;
	_ =	sdelay $0x1  }
0xa2: {  	s23 =	simm.s32 $0x1B8B  }
0xa3: {  	_ =	swait.ge [sflag:s23], $0x1  }
0xa4: {  	[sflag:s23] =	ssyncset.done $0x0  }
0xa5: {  	s25 =	simm.s32 $0x1B8E;
	s24 =	sld [smem:$0x3FFE];
	[sflag:s23] =	ssyncadd.s32 $0xFFFFFFFF  }
0xa6: {  	s26 =	simm.s32 $execute0_lowered;
	[smem:$0x3FD2] =	sst s25  }
0xa7: {  	s6 =	sshll.u32 s26, $0x1;
	_ =	strace $0x80000046;
	[dreg:$0x1] =	wrdreg $0xFFFFFFFF  }
0xa8: {  	s28 =	simm.s32 $_size_execute0_lowered;
	s4 =	sadd.s32 s4, s6;
	[dreg:$0x0] =	wrdreg $0x0  }
0xa9: {  	s6 =	sshll.u32 s28, $0x1;
	[dreg:$0x2] =	wrdreg s4  }
0xaa: {  	[dreg:$0x3] =	wrdreg s6  }
0xab: {  	[dreg:$0x4] =	wrdreg $0xC0  }
0xac: {  	_ =	task [dreg:s8], $0x5FFFF  }
0xad: {  	[dreg:$0x1] =	wrdreg $0xFFFFFFFF  }
0xae: {  	[dreg:$0x0] =	wrdreg $0x60  }
0xaf: {  	[dreg:$0x2] =	wrdreg s24  }
0xb0: {  	[dreg:$0x3] =	wrdreg s18  }
0xb1: {  	[dreg:$0x4] =	wrdreg s2  }
0xb2: {  	[dreg:$0x5] =	wrdreg $0x0  }
0xb3: {  	[dreg:$0x6] =	wrdreg $0x9  }
0xb4: {  	_ =	task.clear_ibuf [dreg:s8], $0x7FFFF;
	_ =	strace $0x90000046  }
0xb5: {  	s29 =	simm.s32 $0x9;
	_ =	strace $0x80000048  }
0xb6: {  	_ =	swait.ge [sflag:s29], $0x1  }
0xb7: {  	[sflag:s29] =	ssyncadd.s32 $0xFFFFFFFF  }
0xb8: {  	_ =	strace $0x90000048  }
0xb9: {  	_ =	sfence  }
0xba: {  	s30 =	sld [smem:$0x0];
	_ =	sdelay $0x2  }
0xbb: {  	s31 =	sshll.u32 s1, $0xD;
	s1 =	sshrl.u32 s1, $0x2  }
0xbc: {  	s3 =	sand.u32 $0x4000, s31;
	s1 =	sadd.s32 s1, s30  }
0xbd: {  	s0 =	sor.u32 s3, s0;
	s1 =	sshll.u32 s1, $0x11  }
0xbe: {  	s0 =	sor.u32 s1, s0  }
0xbf: {  	s0 =	sadd.s32 $0x8F2B, s0  }
0xc0: {  	[sflag:s0] =	ssyncadd.remote.s32 $0x1  }
0xc1: {  	_ =	sfence.sel $0xFFFF  }
0xc2: {  	[dreg:$0x0] =	wrdreg $0xFFFFFFFF;
	(pc) =	sbr.abs _section_cstart, $3  }
0xc3: {  	[dreg:$0x1] =	wrdreg $0xFFFFFFFF  }
0xc4: {  	_ =	task.clear_ibuf [dreg:s8], $0x2FFFF;
	_ =	strace $0x9FFFFFFF  }
0xc5: {  	(tm) =	ssettm $0x7FFFFFFF  }
tec
execute0_lowered:
.L_overlay_start_1:
0x0: {  	(tag) =	ssettag $0x1  }
0x1: {  	s0 =	rddreg [dreg:$0x0]  }
0x2: {  	s1 =	rddreg [dreg:$0x1]  }
0x3: {  	s2 =	rddreg [dreg:$0x2]  }
0x4: {  	s3 =	rddreg [dreg:$0x3];
	s4 =	simm.s32 $0x0;
	s7 =	srdreg.scid  }
0x5: {  	s5 =	stileid.u32;
	s21 =	simm.s32 $0x9D30;
	s22 =	simm.s32 $0x2  }
0x6: {  	s23 =	simm.s32 $0x9C40;
	s24 =	simm.s32 $0x9C90;
	s25 =	simm.s32 $0x9CE0  }
0x7: {  	s26 =	simm.s32 $0x50;
	s28 =	simm.s32 $0x1;
	[smem:$0x7FF] =	sst s4  }
0x8: {  	s6 =	sadd.s32 $0xA800, s0;
	s17 =	sand.u32 $0x1, s7;
	s8 =	smul.u32 $0x27000, s5  }
0x9: {  	s7 =	sadd.s32 $0xA00, s0;
	s18 =	smul.u32 $0x9C00, s5;
	s0 =	sadd.s32 $0x1E200, s0  }
0xa: {  	s16 =	sadd.s32 $0x9C000, s3;
	p0 =	sne.s32 s5, $0x0;
	_ =	strace $0x80000047  }
0xb: {  	s9 =	ssub.s32 $0x2, s17;
	s19 =	smul.u32 $0x9C400, s17;
	s17 =	sshll.u32 s17, $0x4  }
0xc: {  	s10 =	sshrl.u32 s9, $0x1;
	s11 =	sshrl.u32 s8, $0x2;
	s8 =	sadd.s32 s18, s3  }
0xd: {  	s17 =	sor.u32 s5, s17;
	s20 =	ssub.s32 s9, s10;
	s15 =	sadd.s32 s11, s3  }
0xe: {  	s18 =	sadd.s32 s18, s19;
	s19 =	sshrl.u32 s19, $0x3;
	s17 =	smul.u32 $0x2710, s17  }
0xf: {  	s9 =	sadd.s32 $0x1400, s15;
	s10 =	sadd.s32 $0x2800, s15;
	s11 =	sadd.s32 $0x3C00, s15  }
0x10: {  	s12 =	sadd.s32 $0x5000, s15;
	s13 =	sadd.s32 $0x6400, s15;
	s14 =	sadd.s32 $0x7800, s15  }
0x11: {  	s15 =	sadd.s32 $0x8C00, s15;
	s18 =	sshrl.u32 s18, $0x3;
	s19 =	sadd.s32 s0, s19  }
0x12: {  	v0 =	vimm.f32 $0.0e+00;
	s20 =	smax.u32 s20, $0x1;
	s18 =	sadd.s32 s0, s18;
	s19 =	sadd.s32 $0x13800, s19  }
.LBB2_1:
0x13: {  	s29 =	simm.s32 $0x100;
	s0 =	simm.s32 $0x0  }
.LBB2_2:
0x14: {  	p1 =	sne.s32 s29, $0x4F00;
	[tilespmem:s0+$0x9D60] =	vst v0;
	s30 =	smov.u32 s29;
	s29 =	sadd.s32 $0x100, s29  }
.Ltmp0:
0x15: {  	[tilespmem:s0+$0x9D50] =	vst v0;
	(pc) =	sbr.rel @p1 .LBB2_2-.Ltmp0, $3  }
0x16: {  	[tilespmem:s0+$0x9D30] =	vst v0  }
0x17: {  	[tilespmem:s0+$0x9D40] =	vst v0;
	_ =	sdelay $0x1  }
0x18: {  	s0 =	sshra.s32 s30, $0x2  }
0x19: {  	[tilespmem:s0+$0x9D60] =	vst v0  }
0x1a: {  	[tilespmem:s0+$0x9D50] =	vst v0  }
0x1b: {  	[tilespmem:s0+$0x9D30] =	vst v0  }
0x1c: {  	[tilespmem:s0+$0x9D40] =	vst v0  }
0x1d: {  	[spmem:s8] =	stream.linear.scatter [tilespmem:s21], [sflag:$0x2], $0x1400, $0x38;
	[tilespmem:$0xB130] =	vst v63  }
0x1e: {  	_ =	swait.ge [sflag:s22], $0x1400  }
0x1f: {  	[sflag:s22] =	ssyncset.done $0x0  }
0x20: {  	[sflag:s22] =	ssyncadd.s32 $0xFFFFEC00  }
0x21: {  	[spmem:s9] =	stream.linear.scatter [tilespmem:s21], [sflag:$0x2], $0x1400, $0x38;
	[tilespmem:$0xB130] =	vst v63  }
0x22: {  	_ =	swait.ge [sflag:s22], $0x1400  }
0x23: {  	[sflag:s22] =	ssyncset.done $0x0  }
0x24: {  	[sflag:s22] =	ssyncadd.s32 $0xFFFFEC00  }
0x25: {  	[spmem:s10] =	stream.linear.scatter [tilespmem:s21], [sflag:$0x2], $0x1400, $0x38;
	[tilespmem:$0xB130] =	vst v63  }
0x26: {  	_ =	swait.ge [sflag:s22], $0x1400  }
0x27: {  	[sflag:s22] =	ssyncset.done $0x0  }
0x28: {  	[sflag:s22] =	ssyncadd.s32 $0xFFFFEC00  }
0x29: {  	[spmem:s11] =	stream.linear.scatter [tilespmem:s21], [sflag:$0x2], $0x1400, $0x38;
	[tilespmem:$0xB130] =	vst v63  }
0x2a: {  	_ =	swait.ge [sflag:s22], $0x1400  }
0x2b: {  	[sflag:s22] =	ssyncset.done $0x0  }
0x2c: {  	[sflag:s22] =	ssyncadd.s32 $0xFFFFEC00  }
0x2d: {  	[spmem:s12] =	stream.linear.scatter [tilespmem:s21], [sflag:$0x2], $0x1400, $0x38;
	[tilespmem:$0xB130] =	vst v63  }
0x2e: {  	_ =	swait.ge [sflag:s22], $0x1400  }
0x2f: {  	[sflag:s22] =	ssyncset.done $0x0  }
0x30: {  	[sflag:s22] =	ssyncadd.s32 $0xFFFFEC00  }
0x31: {  	[spmem:s13] =	stream.linear.scatter [tilespmem:s21], [sflag:$0x2], $0x1400, $0x38;
	[tilespmem:$0xB130] =	vst v63  }
0x32: {  	_ =	swait.ge [sflag:s22], $0x1400  }
0x33: {  	[sflag:s22] =	ssyncset.done $0x0  }
0x34: {  	[sflag:s22] =	ssyncadd.s32 $0xFFFFEC00  }
0x35: {  	[spmem:s14] =	stream.linear.scatter [tilespmem:s21], [sflag:$0x2], $0x1400, $0x38;
	[tilespmem:$0xB130] =	vst v63  }
0x36: {  	_ =	swait.ge [sflag:s22], $0x1400  }
0x37: {  	[sflag:s22] =	ssyncset.done $0x0  }
0x38: {  	[sflag:s22] =	ssyncadd.s32 $0xFFFFEC00  }
0x39: {  	[spmem:s15] =	stream.linear.scatter [tilespmem:s21], [sflag:$0x2], $0x1000, $0x38;
	[tilespmem:$0xB130] =	vst v63  }
0x3a: {  	_ =	swait.ge [sflag:s22], $0x1000  }
0x3b: {  	[sflag:s22] =	ssyncset.done $0x0  }
0x3c: {  	s0 =	simm.s32 @!p0 $0x9D30;
	[sflag:s22] =	ssyncadd.s32 $0xFFFFF000  }
0x3d: {  	[spmem:s16] =	stream.linear.scatter @!p0 [tilespmem:s0], [sflag:$0x2], $0x400, $0x38;
	[tilespmem:$0xB130] =	vst v63  }
0x3e: {  	s0 =	simm.s32 @!p0 $0x2  }
0x3f: {  	_ =	swait.ge @!p0 [sflag:s0], $0x400  }
0x40: {  	[sflag:s0] =	ssyncset.done @!p0 $0x0  }
0x41: {  	[sflag:s0] =	ssyncadd.s32 @!p0 $0xFFFFFC00  }
0x42: {  	s29 =	simm.s32 $0x0;
	s30 =	simm.s32 $0x0;
	[bflag:$0x0] =	sbarrier.arrive $0xFFFF  }
.LBB2_4:
0x43: {  	s0 =	smul.u32 $0x50, s30;
	_ =	sdelay $0x1  }
0x44: {  	s0 =	sadd.s32 s17, s0  }
0x45: {  	s0 =	sshrl.u32 s0, $0x3  }
0x46: {  	s31 =	sadd.s32 s7, s0  }
0x47: {  	[tilespmem:s23], [sflag:$0x2] =	stream.linear.gather [hbm4b:s31+s29], $0x50, $0x38;
	[tilespmem:$0xB130] =	vst v63  }
0x48: {  	_ =	swait.ge [sflag:s22], $0x50  }
0x49: {  	[sflag:s22] =	ssyncset.done $0x0  }
0x4a: {  	s31 =	sadd.s32 s1, s0;
	[sflag:s22] =	ssyncadd.s32 $0xFFFFFFB0  }
0x4b: {  	[tilespmem:s24], [sflag:$0x2] =	stream.linear.gather [hbm4b:s31+s29], $0x50, $0x38;
	[tilespmem:$0xB130] =	vst v63  }
0x4c: {  	_ =	swait.ge [sflag:s22], $0x50  }
0x4d: {  	[sflag:s22] =	ssyncset.done $0x0  }
0x4e: {  	s0 =	sadd.s32 s2, s0;
	[sflag:s22] =	ssyncadd.s32 $0xFFFFFFB0  }
0x4f: {  	[tilespmem:s25], [sflag:$0x2] =	stream.linear.gather [hbm4b:s0+s29], $0x50, $0x38;
	[tilespmem:$0xB130] =	vst v63  }
0x50: {  	_ =	swait.ge [sflag:s22], $0x50  }
0x51: {  	[sflag:s22] =	ssyncset.done $0x0  }
0x52: {  	[sflag:s22] =	ssyncadd.s32 $0xFFFFFFB0  }
0x53: {  	[tilespmem:s21], [sflag:$0x1] =	stream.indirect.gather [hbm4b:s6+s26], $0x40, s23, s26, $0xb8;
	[tilespmem:$0xB130] =	vst v63  }
0x54: {  	_ =	swait.ge [sflag:s28], $0x1400  }
0x55: {  	[sflag:s28] =	ssyncset.done $0x0  }
0x56: {  	s31 =	simm.s32 $0x9F30;
	s0 =	simm.s32 $0x0;
	[sflag:s28] =	ssyncadd.s32 $0xFFFFEC00  }
.LBB2_5:
0x57: {  	s5 =	sshra.s32 s0, $0x2  }
0x58: {  	v1 =	vld [tilespmem:s5+$0x9CE0];
	_ =	sdelay $0x1  }
0x59: {  	v2 =	vld [tilespmem:s31+$0xFFFFFE00];
	_ =	sdelay $0x2  }
0x5a: {  	v3 =	vbroadcast v1, $0x0;
	_ =	sdelay $0x1  }
0x5b: {  	v2 =	vmul.f32 v3, v2;
	_ =	sdelay $0x1  }
0x5c: {  	[tilespmem:s31+$0xFFFFFE00] =	vst v2;
	v2 =	vld [tilespmem:s31+$0xFFFFFE10];
	_ =	sdelay $0x4  }
0x5d: {  	v2 =	vmul.f32 v2, v3;
	_ =	sdelay $0x1  }
0x5e: {  	[tilespmem:s31+$0xFFFFFE10] =	vst v2;
	v2 =	vld [tilespmem:s31+$0xFFFFFE20];
	_ =	sdelay $0x4  }
0x5f: {  	v2 =	vmul.f32 v2, v3;
	_ =	sdelay $0x1  }
0x60: {  	[tilespmem:s31+$0xFFFFFE20] =	vst v2;
	v2 =	vld [tilespmem:s31+$0xFFFFFE30];
	_ =	sdelay $0x4  }
0x61: {  	v2 =	vmul.f32 v2, v3;
	_ =	sdelay $0x1  }
0x62: {  	[tilespmem:s31+$0xFFFFFE30] =	vst v2;
	v2 =	vld [tilespmem:s31+$0xFFFFFE40];
	_ =	sdelay $0x2  }
0x63: {  	v3 =	vbroadcast v1, $0x1;
	_ =	sdelay $0x1  }
0x64: {  	v2 =	vmul.f32 v2, v3;
	_ =	sdelay $0x1  }
0x65: {  	[tilespmem:s31+$0xFFFFFE40] =	vst v2;
	v2 =	vld [tilespmem:s31+$0xFFFFFE50];
	_ =	sdelay $0x4  }
0x66: {  	v2 =	vmul.f32 v2, v3;
	_ =	sdelay $0x1  }
0x67: {  	[tilespmem:s31+$0xFFFFFE50] =	vst v2;
	v2 =	vld [tilespmem:s31+$0xFFFFFE60];
	_ =	sdelay $0x4  }
0x68: {  	v2 =	vmul.f32 v2, v3;
	_ =	sdelay $0x1  }
0x69: {  	[tilespmem:s31+$0xFFFFFE60] =	vst v2;
	v2 =	vld [tilespmem:s31+$0xFFFFFE70];
	_ =	sdelay $0x4  }
0x6a: {  	v2 =	vmul.f32 v2, v3;
	_ =	sdelay $0x1  }
0x6b: {  	[tilespmem:s31+$0xFFFFFE70] =	vst v2;
	v2 =	vld [tilespmem:s31+$0xFFFFFE80];
	_ =	sdelay $0x2  }
0x6c: {  	v3 =	vbroadcast v1, $0x2;
	_ =	sdelay $0x1  }
0x6d: {  	v2 =	vmul.f32 v2, v3;
	_ =	sdelay $0x1  }
0x6e: {  	[tilespmem:s31+$0xFFFFFE80] =	vst v2;
	v2 =	vld [tilespmem:s31+$0xFFFFFE90];
	_ =	sdelay $0x4  }
0x6f: {  	v2 =	vmul.f32 v2, v3;
	_ =	sdelay $0x1  }
0x70: {  	[tilespmem:s31+$0xFFFFFE90] =	vst v2;
	v2 =	vld [tilespmem:s31+$0xFFFFFEA0];
	_ =	sdelay $0x4  }
0x71: {  	v2 =	vmul.f32 v2, v3;
	_ =	sdelay $0x1  }
0x72: {  	[tilespmem:s31+$0xFFFFFEA0] =	vst v2;
	v2 =	vld [tilespmem:s31+$0xFFFFFEB0];
	_ =	sdelay $0x4  }
0x73: {  	v2 =	vmul.f32 v2, v3;
	_ =	sdelay $0x1  }
0x74: {  	[tilespmem:s31+$0xFFFFFEB0] =	vst v2;
	v2 =	vld [tilespmem:s31+$0xFFFFFEC0];
	_ =	sdelay $0x2  }
0x75: {  	v3 =	vbroadcast v1, $0x3;
	_ =	sdelay $0x1  }
0x76: {  	v2 =	vmul.f32 v2, v3;
	_ =	sdelay $0x1  }
0x77: {  	[tilespmem:s31+$0xFFFFFEC0] =	vst v2;
	v2 =	vld [tilespmem:s31+$0xFFFFFED0];
	_ =	sdelay $0x4  }
0x78: {  	v2 =	vmul.f32 v2, v3;
	_ =	sdelay $0x1  }
0x79: {  	[tilespmem:s31+$0xFFFFFED0] =	vst v2;
	v2 =	vld [tilespmem:s31+$0xFFFFFEE0];
	_ =	sdelay $0x4  }
0x7a: {  	v2 =	vmul.f32 v2, v3;
	_ =	sdelay $0x1  }
0x7b: {  	[tilespmem:s31+$0xFFFFFEE0] =	vst v2;
	v2 =	vld [tilespmem:s31+$0xFFFFFEF0];
	_ =	sdelay $0x4  }
0x7c: {  	v2 =	vmul.f32 v2, v3;
	_ =	sdelay $0x1  }
0x7d: {  	[tilespmem:s31+$0xFFFFFEF0] =	vst v2;
	v2 =	vld [tilespmem:s31+$0xFFFFFF00];
	_ =	sdelay $0x2  }
0x7e: {  	v3 =	vbroadcast v1, $0x4;
	_ =	sdelay $0x1  }
0x7f: {  	v2 =	vmul.f32 v2, v3;
	_ =	sdelay $0x1  }
0x80: {  	[tilespmem:s31+$0xFFFFFF00] =	vst v2;
	v2 =	vld [tilespmem:s31+$0xFFFFFF10];
	_ =	sdelay $0x4  }
0x81: {  	v2 =	vmul.f32 v2, v3;
	_ =	sdelay $0x1  }
0x82: {  	[tilespmem:s31+$0xFFFFFF10] =	vst v2;
	v2 =	vld [tilespmem:s31+$0xFFFFFF20];
	_ =	sdelay $0x4  }
0x83: {  	v2 =	vmul.f32 v2, v3;
	_ =	sdelay $0x1  }
0x84: {  	[tilespmem:s31+$0xFFFFFF20] =	vst v2;
	v2 =	vld [tilespmem:s31+$0xFFFFFF30];
	_ =	sdelay $0x4  }
0x85: {  	v2 =	vmul.f32 v2, v3;
	_ =	sdelay $0x1  }
0x86: {  	[tilespmem:s31+$0xFFFFFF30] =	vst v2;
	v2 =	vld [tilespmem:s31+$0xFFFFFF40];
	_ =	sdelay $0x2  }
0x87: {  	v3 =	vbroadcast v1, $0x5;
	_ =	sdelay $0x1  }
0x88: {  	v2 =	vmul.f32 v2, v3;
	_ =	sdelay $0x1  }
0x89: {  	[tilespmem:s31+$0xFFFFFF40] =	vst v2;
	v2 =	vld [tilespmem:s31+$0xFFFFFF50];
	_ =	sdelay $0x4  }
0x8a: {  	v2 =	vmul.f32 v2, v3;
	_ =	sdelay $0x1  }
0x8b: {  	[tilespmem:s31+$0xFFFFFF50] =	vst v2;
	v2 =	vld [tilespmem:s31+$0xFFFFFF60];
	_ =	sdelay $0x4  }
0x8c: {  	v2 =	vmul.f32 v2, v3;
	_ =	sdelay $0x1  }
0x8d: {  	[tilespmem:s31+$0xFFFFFF60] =	vst v2;
	v2 =	vld [tilespmem:s31+$0xFFFFFF70];
	_ =	sdelay $0x4  }
0x8e: {  	v2 =	vmul.f32 v2, v3;
	_ =	sdelay $0x1  }
0x8f: {  	[tilespmem:s31+$0xFFFFFF70] =	vst v2;
	v2 =	vld [tilespmem:s31+$0xFFFFFF80];
	_ =	sdelay $0x2  }
0x90: {  	v3 =	vbroadcast v1, $0x6;
	_ =	sdelay $0x1  }
0x91: {  	v2 =	vmul.f32 v2, v3;
	_ =	sdelay $0x1  }
0x92: {  	[tilespmem:s31+$0xFFFFFF80] =	vst v2;
	v2 =	vld [tilespmem:s31+$0xFFFFFF90];
	_ =	sdelay $0x4  }
0x93: {  	v2 =	vmul.f32 v2, v3;
	_ =	sdelay $0x1  }
0x94: {  	[tilespmem:s31+$0xFFFFFF90] =	vst v2;
	v2 =	vld [tilespmem:s31+$0xFFFFFFA0];
	_ =	sdelay $0x4  }
0x95: {  	v2 =	vmul.f32 v2, v3;
	_ =	sdelay $0x1  }
0x96: {  	[tilespmem:s31+$0xFFFFFFA0] =	vst v2;
	v2 =	vld [tilespmem:s31+$0xFFFFFFB0];
	_ =	sdelay $0x4  }
0x97: {  	v2 =	vmul.f32 v2, v3;
	_ =	sdelay $0x1  }
0x98: {  	[tilespmem:s31+$0xFFFFFFB0] =	vst v2;
	v2 =	vld [tilespmem:s31+$0xFFFFFFC0];
	_ =	sdelay $0x2  }
0x99: {  	v3 =	vbroadcast v1, $0x7;
	_ =	sdelay $0x1  }
0x9a: {  	v2 =	vmul.f32 v2, v3;
	_ =	sdelay $0x1  }
0x9b: {  	[tilespmem:s31+$0xFFFFFFC0] =	vst v2;
	v2 =	vld [tilespmem:s31+$0xFFFFFFD0];
	_ =	sdelay $0x4  }
0x9c: {  	v2 =	vmul.f32 v2, v3;
	_ =	sdelay $0x1  }
0x9d: {  	[tilespmem:s31+$0xFFFFFFD0] =	vst v2;
	v2 =	vld [tilespmem:s31+$0xFFFFFFE0];
	_ =	sdelay $0x4  }
0x9e: {  	v2 =	vmul.f32 v2, v3;
	_ =	sdelay $0x1  }
0x9f: {  	[tilespmem:s31+$0xFFFFFFE0] =	vst v2;
	v2 =	vld [tilespmem:s31+$0xFFFFFFF0];
	_ =	sdelay $0x4  }
0xa0: {  	v2 =	vmul.f32 v2, v3;
	_ =	sdelay $0x1  }
0xa1: {  	[tilespmem:s31+$0xFFFFFFF0] =	vst v2;
	v2 =	vld [tilespmem:s31+$0x0];
	_ =	sdelay $0x2  }
0xa2: {  	v3 =	vbroadcast v1, $0x8;
	_ =	sdelay $0x1  }
0xa3: {  	v2 =	vmul.f32 v2, v3;
	_ =	sdelay $0x1  }
0xa4: {  	[tilespmem:s31+$0x0] =	vst v2;
	v2 =	vld [tilespmem:s31+$0x10];
	_ =	sdelay $0x4  }
0xa5: {  	v2 =	vmul.f32 v2, v3;
	_ =	sdelay $0x1  }
0xa6: {  	[tilespmem:s31+$0x10] =	vst v2;
	v2 =	vld [tilespmem:s31+$0x20];
	_ =	sdelay $0x4  }
0xa7: {  	v2 =	vmul.f32 v2, v3;
	_ =	sdelay $0x1  }
0xa8: {  	[tilespmem:s31+$0x20] =	vst v2;
	v2 =	vld [tilespmem:s31+$0x30];
	_ =	sdelay $0x4  }
0xa9: {  	v2 =	vmul.f32 v2, v3;
	_ =	sdelay $0x1  }
0xaa: {  	[tilespmem:s31+$0x30] =	vst v2;
	v2 =	vld [tilespmem:s31+$0x40];
	_ =	sdelay $0x2  }
0xab: {  	v3 =	vbroadcast v1, $0x9;
	_ =	sdelay $0x1  }
0xac: {  	v2 =	vmul.f32 v2, v3;
	_ =	sdelay $0x1  }
0xad: {  	[tilespmem:s31+$0x40] =	vst v2;
	v2 =	vld [tilespmem:s31+$0x50];
	_ =	sdelay $0x4  }
0xae: {  	v2 =	vmul.f32 v2, v3;
	_ =	sdelay $0x1  }
0xaf: {  	[tilespmem:s31+$0x50] =	vst v2;
	v2 =	vld [tilespmem:s31+$0x60];
	_ =	sdelay $0x4  }
0xb0: {  	v2 =	vmul.f32 v2, v3;
	_ =	sdelay $0x1  }
0xb1: {  	[tilespmem:s31+$0x60] =	vst v2;
	v2 =	vld [tilespmem:s31+$0x70];
	_ =	sdelay $0x4  }
0xb2: {  	v2 =	vmul.f32 v2, v3;
	_ =	sdelay $0x1  }
0xb3: {  	[tilespmem:s31+$0x70] =	vst v2;
	v2 =	vld [tilespmem:s31+$0x80];
	_ =	sdelay $0x2  }
0xb4: {  	v3 =	vbroadcast v1, $0xA;
	_ =	sdelay $0x1  }
0xb5: {  	v2 =	vmul.f32 v2, v3;
	_ =	sdelay $0x1  }
0xb6: {  	[tilespmem:s31+$0x80] =	vst v2;
	v2 =	vld [tilespmem:s31+$0x90];
	_ =	sdelay $0x4  }
0xb7: {  	v2 =	vmul.f32 v2, v3;
	_ =	sdelay $0x1  }
0xb8: {  	[tilespmem:s31+$0x90] =	vst v2;
	v2 =	vld [tilespmem:s31+$0xA0];
	_ =	sdelay $0x4  }
0xb9: {  	v2 =	vmul.f32 v2, v3;
	_ =	sdelay $0x1  }
0xba: {  	[tilespmem:s31+$0xA0] =	vst v2;
	v2 =	vld [tilespmem:s31+$0xB0];
	_ =	sdelay $0x4  }
0xbb: {  	v2 =	vmul.f32 v2, v3;
	_ =	sdelay $0x1  }
0xbc: {  	[tilespmem:s31+$0xB0] =	vst v2;
	v2 =	vld [tilespmem:s31+$0xC0];
	_ =	sdelay $0x2  }
0xbd: {  	v3 =	vbroadcast v1, $0xB;
	_ =	sdelay $0x1  }
0xbe: {  	v2 =	vmul.f32 v2, v3;
	_ =	sdelay $0x1  }
0xbf: {  	[tilespmem:s31+$0xC0] =	vst v2;
	v2 =	vld [tilespmem:s31+$0xD0];
	_ =	sdelay $0x4  }
0xc0: {  	v2 =	vmul.f32 v2, v3;
	_ =	sdelay $0x1  }
0xc1: {  	[tilespmem:s31+$0xD0] =	vst v2;
	v2 =	vld [tilespmem:s31+$0xE0];
	_ =	sdelay $0x4  }
0xc2: {  	v2 =	vmul.f32 v2, v3;
	_ =	sdelay $0x1  }
0xc3: {  	[tilespmem:s31+$0xE0] =	vst v2;
	v2 =	vld [tilespmem:s31+$0xF0];
	_ =	sdelay $0x4  }
0xc4: {  	v2 =	vmul.f32 v2, v3;
	_ =	sdelay $0x1  }
0xc5: {  	[tilespmem:s31+$0xF0] =	vst v2;
	v2 =	vld [tilespmem:s31+$0x100];
	_ =	sdelay $0x2  }
0xc6: {  	v3 =	vbroadcast v1, $0xC;
	_ =	sdelay $0x1  }
0xc7: {  	v2 =	vmul.f32 v2, v3;
	_ =	sdelay $0x1  }
0xc8: {  	[tilespmem:s31+$0x100] =	vst v2;
	v2 =	vld [tilespmem:s31+$0x110];
	_ =	sdelay $0x4  }
0xc9: {  	v2 =	vmul.f32 v2, v3;
	_ =	sdelay $0x1  }
0xca: {  	[tilespmem:s31+$0x110] =	vst v2;
	v2 =	vld [tilespmem:s31+$0x120];
	_ =	sdelay $0x4  }
0xcb: {  	v2 =	vmul.f32 v2, v3;
	_ =	sdelay $0x1  }
0xcc: {  	[tilespmem:s31+$0x120] =	vst v2;
	v2 =	vld [tilespmem:s31+$0x130];
	_ =	sdelay $0x4  }
0xcd: {  	v2 =	vmul.f32 v2, v3;
	_ =	sdelay $0x1  }
0xce: {  	[tilespmem:s31+$0x130] =	vst v2;
	v2 =	vld [tilespmem:s31+$0x140];
	_ =	sdelay $0x2  }
0xcf: {  	v3 =	vbroadcast v1, $0xD;
	_ =	sdelay $0x1  }
0xd0: {  	v2 =	vmul.f32 v2, v3;
	_ =	sdelay $0x1  }
0xd1: {  	[tilespmem:s31+$0x140] =	vst v2;
	v2 =	vld [tilespmem:s31+$0x150];
	_ =	sdelay $0x4  }
0xd2: {  	v2 =	vmul.f32 v2, v3;
	_ =	sdelay $0x1  }
0xd3: {  	[tilespmem:s31+$0x150] =	vst v2;
	v2 =	vld [tilespmem:s31+$0x160];
	_ =	sdelay $0x4  }
0xd4: {  	v2 =	vmul.f32 v2, v3;
	_ =	sdelay $0x1  }
0xd5: {  	[tilespmem:s31+$0x160] =	vst v2;
	v2 =	vld [tilespmem:s31+$0x170];
	_ =	sdelay $0x4  }
0xd6: {  	v2 =	vmul.f32 v2, v3;
	_ =	sdelay $0x1  }
0xd7: {  	[tilespmem:s31+$0x170] =	vst v2;
	v2 =	vld [tilespmem:s31+$0x180];
	_ =	sdelay $0x2  }
0xd8: {  	v3 =	vbroadcast v1, $0xE;
	_ =	sdelay $0x1  }
0xd9: {  	v2 =	vmul.f32 v2, v3;
	_ =	sdelay $0x1  }
0xda: {  	[tilespmem:s31+$0x180] =	vst v2;
	v2 =	vld [tilespmem:s31+$0x190];
	_ =	sdelay $0x4  }
0xdb: {  	v2 =	vmul.f32 v2, v3;
	_ =	sdelay $0x1  }
0xdc: {  	[tilespmem:s31+$0x190] =	vst v2;
	v2 =	vld [tilespmem:s31+$0x1A0];
	_ =	sdelay $0x4  }
0xdd: {  	v2 =	vmul.f32 v2, v3;
	_ =	sdelay $0x1  }
0xde: {  	[tilespmem:s31+$0x1A0] =	vst v2;
	v2 =	vld [tilespmem:s31+$0x1B0];
	_ =	sdelay $0x4  }
0xdf: {  	v2 =	vmul.f32 v2, v3;
	_ =	sdelay $0x1  }
0xe0: {  	[tilespmem:s31+$0x1B0] =	vst v2;
	v2 =	vld [tilespmem:s31+$0x1C0];
	_ =	sdelay $0x2  }
0xe1: {  	v1 =	vbroadcast v1, $0xF;
	_ =	sdelay $0x1  }
0xe2: {  	v2 =	vmul.f32 v2, v1;
	_ =	sdelay $0x1  }
0xe3: {  	[tilespmem:s31+$0x1C0] =	vst v2;
	v2 =	vld [tilespmem:s31+$0x1D0];
	_ =	sdelay $0x4  }
0xe4: {  	v2 =	vmul.f32 v2, v1;
	_ =	sdelay $0x1  }
0xe5: {  	[tilespmem:s31+$0x1D0] =	vst v2;
	v2 =	vld [tilespmem:s31+$0x1E0];
	_ =	sdelay $0x4  }
0xe6: {  	v2 =	vmul.f32 v2, v1;
	_ =	sdelay $0x1  }
0xe7: {  	[tilespmem:s31+$0x1E0] =	vst v2;
	v2 =	vld [tilespmem:s31+$0x1F0];
	_ =	sdelay $0x1  }
0xe8: {  	p1 =	sne.s32 s0, $0x100  }
.Ltmp1:
0xe9: {  	_ = 	snop;
	(pc) =	sbr.rel @p1 .LBB2_5-.Ltmp1, $3  }
0xea: {  	_ = 	snop  }
0xeb: {  	v1 =	vmul.f32 v2, v1;
	_ =	sdelay $0x1  }
0xec: {  	s0 =	sadd.s32 $0x40, s0;
	[tilespmem:s31+$0x1F0] =	vst v1;
	s31 =	sadd.s32 $0x400, s31  }
0xed: {  	s30 =	sadd.s32 $0x1, s30  }
0xee: {  	p1 =	sne.s32 s30, $0x7D  }
.Ltmp2:
0xef: {  	_ = 	snop;
	(pc) =	sbr.rel @p1 .LBB2_4-.Ltmp2, $4  }
0xf0: {  	[spmem:s3] =	stream.indirect.scatter.add.f32 [tilespmem:s21], [sflag:$0x2], $0x40, s24, s26, $0xb8;
	[tilespmem:$0xB130] =	vst v63  }
0xf1: {  	_ =	swait.ge [sflag:s22], $0x1400  }
0xf2: {  	[sflag:s22] =	ssyncset.done $0x0  }
0xf3: {  	[sflag:s22] =	ssyncadd.s32 $0xFFFFEC00  }
0xf4: {  	s0 =	stileid.u32  }
0xf5: {  	s0 =	sshll.u32 s0, $0x6  }
0xf6: {  	[bflag:$0x0] =	sbarrier.arrive $0xFFFF;
	s5 =	sshrl.u32 s8, $0x3;
	s0 =	sor.u32 $0x1C02, s0  }
0xf7: {  	[hbm:s18], [sflag:s0] =	dma.local [spmem:s5], $0x1380  }
0xf8: {  	_ =	swait.ge [sflag:s22], $0x1380  }
0xf9: {  	s4 =	sadd.s32 $0x1, s4;
	[sflag:s22] =	ssyncset.done $0x0  }
0xfa: {  	p1 =	sne.s32 s4, s20;
	s5 =	sshrl.u32 @!p0 s16, $0x3;
	[sflag:s22] =	ssyncadd.s32 $0xFFFFEC80  }
0xfb: {  	[hbm:s19], [sflag:s0] =	dma.local @!p0 [spmem:s5], $0x80  }
.Ltmp3:
0xfc: {  	_ = 	snop;
	(pc) =	sbr.rel @p1 .LBB2_1-.Ltmp3, $4  }
0xfd: {  	s0 =	simm.s32 @!p0 $0x2  }
0xfe: {  	_ =	swait.ge @!p0 [sflag:s0], $0x80  }
0xff: {  	[sflag:s0] =	ssyncset.done @!p0 $0x0  }
0x100: {  	[sflag:s0] =	ssyncadd.s32 @!p0 $0xFFFFFF80  }
0x101: {  	_ =	sfence.sel $0x180000  }
0x102: {  	[bflag:$0x0] =	sbarrier.arrive $0xFFFF  }
0x103: {  	_ =	strace $0x90000047  }
0x104: {  	[bflag:$0x2] =	sbarrier.arrive $0xFFFF  }
0x105: {  	s0 =	rddreg [dreg:$0x4]  }
0x106: {  	s0 =	sadd.s32 @!p0 $0x100000, s0  }
0x107: {  	[sflag:s0] =	ssyncadd.tile.s32 @!p0 $0x1;
	_ =	shalt  }
.Lfunc_end2:
_tile_overlayer_lowered:
.L_overlay_start_2:
0x108: {  	(tag) =	ssettag $0x2  }
0x109: {  	s0 =	rddreg [dreg:$0x0];
	s2 =	stileid.u32  }
0x10a: {  	s1 =	rddreg [dreg:$0x1];
	p0 =	sne.s32 s2, $0x0  }
0x10b: {  	s3 =	rddreg [dreg:$0x2];
	[bflag:$0x3] =	sbarrier.arrive $0xFFFF;
	s2 =	simm.s32 @!p0 $0x1C02  }
0x10c: {  	[timem:s3], [sflag:s2] =	dma.local @!p0 [hbm:s0], s1  }
0x10d: {  	s0 =	simm.s32 @!p0 $0x2  }
0x10e: {  	_ =	swait.ge @!p0 [sflag:s0], s1  }
0x10f: {  	s1 =	ssub.s32 @!p0 $0x0, s1;
	[sflag:s0] =	ssyncset.done @!p0 $0x0  }
0x110: {  	[sflag:s0] =	ssyncadd.s32 @!p0 s1  }
0x111: {  	[bflag:$0x3] =	sbarrier.arrive $0xFFFF  }
0x112: {  	_ =	shalt  }

</sc_bundles>
